<compile_context>
chip_gen: v7x
topology: tpu7x:2x2x1
jax: 0.10.2.dev20260603
libtpu: 0.0.44.dev20260713+nightly
codegen_flags: <defaults>
</compile_context>

<pallas_src>
import functools

import jax
import jax.numpy as jnp
from jax import lax
from jax.experimental import pallas as pl
from jax.experimental.pallas import tpu as pltpu
from jax.experimental.pallas import tpu_sc as plsc


def _make_gather(V, D, BT, S):
    B = BT * S
    info = plsc.get_sparse_core_info()
    NC, NS = info.num_cores, info.num_subcores
    NW = NC * NS
    assert B % NW == 0
    b_per_w = B // NW
    assert S % b_per_w == 0
    w_per_row = S // b_per_w
    CHUNK = 32
    assert b_per_w % CHUNK == 0
    n_chunks = b_per_w // CHUNK
    assert n_chunks >= 16

    mesh = plsc.VectorSubcoreMesh(core_axis_name="c", subcore_axis_name="s")

    NBUF = 4

    @functools.partial(
        pl.kernel,
        mesh=mesh,
        out_type=jax.ShapeDtypeStruct((B, D), jnp.float32),
        scratch_types=[
            pltpu.VMEM((b_per_w,), jnp.int32),
        ]
        + [pltpu.VMEM((CHUNK, D), jnp.float32)] * NBUF
        + [pltpu.SemaphoreType.DMA] * (2 * NBUF),
    )
    def k(tok_hbm, table_hbm, out_hbm, idx_v, *rest):
        bufs = rest[:NBUF]
        gsems = rest[NBUF:2 * NBUF]
        wsems = rest[2 * NBUF:]
        wid = lax.axis_index("s") * NC + lax.axis_index("c")
        base = wid * b_per_w
        row = wid // w_per_row
        col = (wid % w_per_row) * b_per_w
        pltpu.sync_copy(tok_hbm.at[row, pl.ds(col, b_per_w)], idx_v)

        def gather_desc(c, par):
            idx_slice = idx_v.at[pl.ds(c * CHUNK, CHUNK)]
            return pltpu.make_async_copy(
                table_hbm.at[idx_slice], bufs[par], gsems[par])

        def write_desc(c, par):
            dst = out_hbm.at[pl.ds(base + c * CHUNK, CHUNK)]
            return pltpu.make_async_copy(bufs[par], dst, wsems[par])

        def pos(c, par, do_issue, do_waitw):
            gather_desc(c, par).wait()
            write_desc(c, par).start()
            if do_issue:
                if do_waitw:
                    write_desc(c - 1, (par + NBUF - 1) % NBUF).wait()
                gather_desc(c + NBUF - 1, (par + NBUF - 1) % NBUF).start()

        for c in range(NBUF - 1):
            gather_desc(c, c).start()
        pos(0, 0, True, False)

        pre = (n_chunks - NBUF) % NBUF
        for c in range(1, 1 + pre):
            pos(c, c % NBUF, True, True)

        def body(i, carry):
            for kk in range(NBUF):
                c = NBUF * i + 1 + pre + kk
                pos(c, (1 + pre + kk) % NBUF, True, True)
            return carry

        lax.fori_loop(0, (n_chunks - NBUF - pre) // NBUF, body, 0)

        for c in range(n_chunks - (NBUF - 1), n_chunks):
            pos(c, c % NBUF, False, False)
        for c in range(n_chunks - NBUF, n_chunks):
            write_desc(c, c % NBUF).wait()

    return k


def kernel(tokens, W_E):
    B_, S_ = tokens.shape
    V, D = W_E.shape
    out = _make_gather(V, D, B_, S_)(tokens.astype(jnp.int32), W_E)
    return out.reshape(B_, S_, D)

# --- scband reference (transcript-rebuilt; emitter-appended) ---
"""Pipeline reference for scband-embed-10015863734772 (READ-ONLY COPY).

The authoritative reference and input builder live on the scoring server;
editing this copy changes nothing except your own understanding.
"""

import jax, jax.numpy as jnp
import numpy as np

D_VOCAB = 100000
D_MODEL = 768
BATCH = 4
SEQ = 8192

def setup_inputs(seed: int = 0) -> dict:
    key = jax.random.key(seed)
    k_tok, k_w = jax.random.split(key)
    tokens = jax.random.randint(k_tok, (BATCH, SEQ), 0, D_VOCAB, dtype=jnp.int64) if jax.config.read('jax_enable_x64') else jax.random.randint(k_tok, (BATCH, SEQ), 0, D_VOCAB, dtype=jnp.int32)
    W_E = jax.random.normal(k_w, (D_VOCAB, D_MODEL), dtype=jnp.float32) * 0.02
    return {"tokens": tokens, "W_E": W_E}

def reference(tokens, W_E):
    # Faithful translation of: return self.W_E[tokens, :]
    return jnp.take(W_E, tokens, axis=0)

if __name__ == "__main__":
    import jax
    _d = setup_inputs()
    print(jax.jit(kernel)(*tuple(_d.values())))

</pallas_src>

<mosaic_0001>
#map = affine_map<(d0, d1) -> (0, 0)>
module attributes {stable_mosaic.version = 14 : i64} {
  func.func @k(%arg0: i32, %arg1: i32, %arg2: memref<4x8192xi32, #tpu.memory_space<hbm>>, %arg3: memref<100000x768xf32, #tpu.memory_space<hbm>>, %arg4: memref<32768x768xf32, #tpu.memory_space<hbm>>, %arg5: memref<1024xi32, #tpu.memory_space<vmem>>, %arg6: memref<32x768xf32, #tpu.memory_space<vmem>>, %arg7: memref<32x768xf32, #tpu.memory_space<vmem>>, %arg8: memref<32x768xf32, #tpu.memory_space<vmem>>, %arg9: memref<32x768xf32, #tpu.memory_space<vmem>>, %arg10: memref<!tpu.dma_semaphore, #tpu.memory_space<semaphore_mem>>, %arg11: memref<!tpu.dma_semaphore, #tpu.memory_space<semaphore_mem>>, %arg12: memref<!tpu.dma_semaphore, #tpu.memory_space<semaphore_mem>>, %arg13: memref<!tpu.dma_semaphore, #tpu.memory_space<semaphore_mem>>, %arg14: memref<!tpu.dma_semaphore, #tpu.memory_space<semaphore_mem>>, %arg15: memref<!tpu.dma_semaphore, #tpu.memory_space<semaphore_mem>>, %arg16: memref<!tpu.dma_semaphore, #tpu.memory_space<semaphore_mem>>, %arg17: memref<!tpu.dma_semaphore, #tpu.memory_space<semaphore_mem>>) attributes {dimension_semantics = [#tpu.dimension_semantics<core_parallel>, #tpu.dimension_semantics<subcore_parallel>], iteration_bounds = array<i64: 2, 16>, scalar_prefetch = 0 : i64, scratch_operands = 13 : i64, tpu.core_type = #tpu.core_type<sc_vector_subcore>, window_params = [{transform_indices = #map}, {transform_indices = #map}, {transform_indices = #map}]} {
    %mul3A = arith.constant 2 : i32
    %mul3A_0 = arith.muli %arg1, %mul3A : i32
    %add3A = arith.addi %mul3A_0, %arg0 : i32
    %mul3A_1 = arith.constant 1024 : i32
    %mul3A_2 = arith.muli %add3A, %mul3A_1 : i32
    %jit3A = arith.constant 8 : i32
    %div3A = arith.divsi %add3A, %jit3A : i32
    %sign3A = arith.constant 0 : i32
    %sign3A_3 = arith.cmpi sgt, %add3A, %sign3A : i32
    %sign3A_4 = arith.extui %sign3A_3 : i1 to i32
    %sign3A_5 = arith.constant 0 : i32
    %sign3A_6 = arith.cmpi slt, %add3A, %sign3A_5 : i32
    %sign3A_7 = arith.extui %sign3A_6 : i1 to i32
    %sign3A_8 = arith.subi %sign3A_4, %sign3A_7 : i32
    %sign3A_9 = arith.constant 0 : i32
    %sign3A_10 = arith.cmpi sgt, %jit3A, %sign3A_9 : i32
    %sign3A_11 = arith.extui %sign3A_10 : i1 to i32
    %sign3A_12 = arith.constant 0 : i32
    %sign3A_13 = arith.cmpi slt, %jit3A, %sign3A_12 : i32
    %sign3A_14 = arith.extui %sign3A_13 : i1 to i32
    %sign3A_15 = arith.subi %sign3A_11, %sign3A_14 : i32
    %ne3A = arith.cmpi ne, %sign3A_8, %sign3A_15 : i32
    %rem3A = arith.remsi %add3A, %jit3A : i32
    %ne3A_16 = arith.constant 0 : i32
    %ne3A_17 = arith.cmpi ne, %rem3A, %ne3A_16 : i32
    %and3A = arith.andi %ne3A, %ne3A_17 : i1
    %sub3A = arith.constant 1 : i32
    %sub3A_18 = arith.subi %div3A, %sub3A : i32
    %select_n3A = arith.select %and3A, %sub3A_18, %div3A : i32
    %jit3A_19 = arith.constant 8 : i32
    %eq3A = arith.constant 0 : i32
    %eq3A_20 = arith.cmpi eq, %jit3A_19, %eq3A : i32
    %jit3A_21 = arith.constant 1 : i32
    %select_n3A_22 = arith.select %eq3A_20, %jit3A_21, %jit3A_19 : i32
    %rem3A_23 = arith.remsi %add3A, %select_n3A_22 : i32
    %ne3A_24 = arith.constant 0 : i32
    %ne3A_25 = arith.cmpi ne, %rem3A_23, %ne3A_24 : i32
    %lt3A = arith.constant 0 : i32
    %lt3A_26 = arith.cmpi slt, %rem3A_23, %lt3A : i32
    %lt3A_27 = arith.constant 0 : i32
    %lt3A_28 = arith.cmpi slt, %select_n3A_22, %lt3A_27 : i32
    %ne3A_29 = arith.xori %lt3A_26, %lt3A_28 : i1
    %and3A_30 = arith.andi %ne3A_29, %ne3A_25 : i1
    %add3A_31 = arith.addi %rem3A_23, %select_n3A_22 : i32
    %select_n3A_32 = arith.select %and3A_30, %add3A_31, %rem3A_23 : i32
    %mul3A_33 = arith.constant 1024 : i32
    %mul3A_34 = arith.muli %select_n3A_32, %mul3A_33 : i32
    "tpu.region"() ({
      %run_scoped3A = tpu.sem_alloc : memref<!tpu.dma_semaphore, #tpu.memory_space<semaphore_mem>>
      %dma_start3A_126 = tpu.memref_slice %arg2[%select_n3A, %mul3A_34] : memref<4x8192xi32, #tpu.memory_space<hbm>> -> memref<1x1024xi32, #tpu.memory_space<hbm>>
      %dma_start3A_127 = tpu.memref_squeeze %dma_start3A_126 : memref<1x1024xi32, #tpu.memory_space<hbm>> -> memref<1024xi32, #tpu.memory_space<hbm>>
      %dma_start3A_128 = tpu.memref_slice %arg2[%select_n3A, %mul3A_34] : memref<4x8192xi32, #tpu.memory_space<hbm>> -> memref<1x1024xi32, #tpu.memory_space<hbm>>
      %dma_start3A_129 = tpu.memref_squeeze %dma_start3A_128 : memref<1x1024xi32, #tpu.memory_space<hbm>> -> memref<1024xi32, #tpu.memory_space<hbm>>
      tpu.enqueue_dma source(%dma_start3A_129 : memref<1024xi32, #tpu.memory_space<hbm>>) target(%arg5 : memref<1024xi32, #tpu.memory_space<vmem>>) target_semaphore(%run_scoped3A : memref<!tpu.dma_semaphore, #tpu.memory_space<semaphore_mem>>)
      %dma_wait3A_130 = tpu.memref_slice %arg2[%select_n3A, %mul3A_34] : memref<4x8192xi32, #tpu.memory_space<hbm>> -> memref<1x1024xi32, #tpu.memory_space<hbm>>
      %dma_wait3A_131 = tpu.memref_squeeze %dma_wait3A_130 : memref<1x1024xi32, #tpu.memory_space<hbm>> -> memref<1024xi32, #tpu.memory_space<hbm>>
      %dma_wait3A_132 = tpu.memref_slice %arg2[%select_n3A, %mul3A_34] : memref<4x8192xi32, #tpu.memory_space<hbm>> -> memref<1x1024xi32, #tpu.memory_space<hbm>>
      %dma_wait3A_133 = tpu.memref_squeeze %dma_wait3A_132 : memref<1x1024xi32, #tpu.memory_space<hbm>> -> memref<1024xi32, #tpu.memory_space<hbm>>
      tpu.wait_dma2 semaphore(%run_scoped3A : memref<!tpu.dma_semaphore, #tpu.memory_space<semaphore_mem>>) src(%dma_wait3A_133 : memref<1024xi32, #tpu.memory_space<hbm>>) dst(%arg5 : memref<1024xi32, #tpu.memory_space<vmem>>)
      tpu.yield
    }) : () -> ()
    %dma_start3A = arith.constant 0 : i32
    %dma_start3A_35 = tpu.memref_slice %arg5[%dma_start3A] : memref<1024xi32, #tpu.memory_space<vmem>> -> memref<32xi32, #tpu.memory_space<vmem>>
    %dma_start3A_36 = arith.constant 0 : i32
    %dma_start3A_37 = arith.constant 0 : i32
    %dma_start3A_38 = tpu.memref_slice %arg3[%dma_start3A_36, %dma_start3A_37] : memref<100000x768xf32, #tpu.memory_space<hbm>> -> memref<100000x768xf32, #tpu.memory_space<hbm>>
    tpu.enqueue_indirect_dma source(%dma_start3A_38 : memref<100000x768xf32, #tpu.memory_space<hbm>>) target(%arg6 : memref<32x768xf32, #tpu.memory_space<vmem>>) offsets(%dma_start3A_35 : memref<32xi32, #tpu.memory_space<vmem>>) semaphore(%arg10 : memref<!tpu.dma_semaphore, #tpu.memory_space<semaphore_mem>>)
    %dma_start3A_39 = arith.constant 32 : i32
    %dma_start3A_40 = tpu.memref_slice %arg5[%dma_start3A_39] : memref<1024xi32, #tpu.memory_space<vmem>> -> memref<32xi32, #tpu.memory_space<vmem>>
    %dma_start3A_41 = arith.constant 0 : i32
    %dma_start3A_42 = arith.constant 0 : i32
    %dma_start3A_43 = tpu.memref_slice %arg3[%dma_start3A_41, %dma_start3A_42] : memref<100000x768xf32, #tpu.memory_space<hbm>> -> memref<100000x768xf32, #tpu.memory_space<hbm>>
    tpu.enqueue_indirect_dma source(%dma_start3A_43 : memref<100000x768xf32, #tpu.memory_space<hbm>>) target(%arg7 : memref<32x768xf32, #tpu.memory_space<vmem>>) offsets(%dma_start3A_40 : memref<32xi32, #tpu.memory_space<vmem>>) semaphore(%arg11 : memref<!tpu.dma_semaphore, #tpu.memory_space<semaphore_mem>>)
    %dma_start3A_44 = arith.constant 64 : i32
    %dma_start3A_45 = tpu.memref_slice %arg5[%dma_start3A_44] : memref<1024xi32, #tpu.memory_space<vmem>> -> memref<32xi32, #tpu.memory_space<vmem>>
    %dma_start3A_46 = arith.constant 0 : i32
    %dma_start3A_47 = arith.constant 0 : i32
    %dma_start3A_48 = tpu.memref_slice %arg3[%dma_start3A_46, %dma_start3A_47] : memref<100000x768xf32, #tpu.memory_space<hbm>> -> memref<100000x768xf32, #tpu.memory_space<hbm>>
    tpu.enqueue_indirect_dma source(%dma_start3A_48 : memref<100000x768xf32, #tpu.memory_space<hbm>>) target(%arg8 : memref<32x768xf32, #tpu.memory_space<vmem>>) offsets(%dma_start3A_45 : memref<32xi32, #tpu.memory_space<vmem>>) semaphore(%arg12 : memref<!tpu.dma_semaphore, #tpu.memory_space<semaphore_mem>>)
    %dma_wait3A = arith.constant 0 : i32
    %dma_wait3A_49 = tpu.memref_slice %arg5[%dma_wait3A] : memref<1024xi32, #tpu.memory_space<vmem>> -> memref<32xi32, #tpu.memory_space<vmem>>
    %dma_wait3A_50 = arith.constant 0 : i32
    %dma_wait3A_51 = arith.constant 0 : i32
    %dma_wait3A_52 = tpu.memref_slice %arg3[%dma_wait3A_50, %dma_wait3A_51] : memref<100000x768xf32, #tpu.memory_space<hbm>> -> memref<100000x768xf32, #tpu.memory_space<hbm>>
    tpu.wait_indirect_dma semaphore(%arg10 : memref<!tpu.dma_semaphore, #tpu.memory_space<semaphore_mem>>) src(%dma_wait3A_52 : memref<100000x768xf32, #tpu.memory_space<hbm>>) dst(%arg6 : memref<32x768xf32, #tpu.memory_space<vmem>>)
    %add3A_53 = arith.constant 0 : i32
    %add3A_54 = arith.addi %mul3A_2, %add3A_53 : i32
    %dma_start3A_55 = arith.constant 0 : i32
    %dma_start3A_56 = tpu.memref_slice %arg4[%add3A_54, %dma_start3A_55] : memref<32768x768xf32, #tpu.memory_space<hbm>> -> memref<32x768xf32, #tpu.memory_space<hbm>>
    %dma_start3A_57 = arith.constant 0 : i32
    %dma_start3A_58 = tpu.memref_slice %arg4[%add3A_54, %dma_start3A_57] : memref<32768x768xf32, #tpu.memory_space<hbm>> -> memref<32x768xf32, #tpu.memory_space<hbm>>
    tpu.enqueue_dma source(%arg6 : memref<32x768xf32, #tpu.memory_space<vmem>>) target(%dma_start3A_58 : memref<32x768xf32, #tpu.memory_space<hbm>>) target_semaphore(%arg14 : memref<!tpu.dma_semaphore, #tpu.memory_space<semaphore_mem>>)
    %dma_start3A_59 = arith.constant 96 : i32
    %dma_start3A_60 = tpu.memref_slice %arg5[%dma_start3A_59] : memref<1024xi32, #tpu.memory_space<vmem>> -> memref<32xi32, #tpu.memory_space<vmem>>
    %dma_start3A_61 = arith.constant 0 : i32
    %dma_start3A_62 = arith.constant 0 : i32
    %dma_start3A_63 = tpu.memref_slice %arg3[%dma_start3A_61, %dma_start3A_62] : memref<100000x768xf32, #tpu.memory_space<hbm>> -> memref<100000x768xf32, #tpu.memory_space<hbm>>
    tpu.enqueue_indirect_dma source(%dma_start3A_63 : memref<100000x768xf32, #tpu.memory_space<hbm>>) target(%arg9 : memref<32x768xf32, #tpu.memory_space<vmem>>) offsets(%dma_start3A_60 : memref<32xi32, #tpu.memory_space<vmem>>) semaphore(%arg13 : memref<!tpu.dma_semaphore, #tpu.memory_space<semaphore_mem>>)
    %scan3A = arith.constant 0 : i32
    %scan3A_64 = arith.constant 0 : i32
    %scan3A_65 = arith.constant 7 : i32
    %scan3A_66 = arith.addi %scan3A_64, %scan3A_65 : i32
    %scan3A_67 = arith.constant 1 : i32
    scf.for %scan3A_126 = %scan3A_64 to %scan3A_66 step %scan3A_67  : i32 {
      %mul3A_127 = arith.constant 4 : i32
      %mul3A_128 = arith.muli %mul3A_127, %scan3A_126 : i32
      %add3A_129 = arith.constant 1 : i32
      %add3A_130 = arith.addi %mul3A_128, %add3A_129 : i32
      %add3A_131 = arith.constant 0 : i32
      %add3A_132 = arith.addi %add3A_130, %add3A_131 : i32
      %add3A_133 = arith.constant 0 : i32
      %add3A_134 = arith.addi %add3A_132, %add3A_133 : i32
      %mul3A_135 = arith.constant 32 : i32
      %mul3A_136 = arith.muli %add3A_134, %mul3A_135 : i32
      %dma_wait3A_137 = tpu.memref_slice %arg5[%mul3A_136] : memref<1024xi32, #tpu.memory_space<vmem>> -> memref<32xi32, #tpu.memory_space<vmem>>
      %dma_wait3A_138 = arith.constant 0 : i32
      %dma_wait3A_139 = arith.constant 0 : i32
      %dma_wait3A_140 = tpu.memref_slice %arg3[%dma_wait3A_138, %dma_wait3A_139] : memref<100000x768xf32, #tpu.memory_space<hbm>> -> memref<100000x768xf32, #tpu.memory_space<hbm>>
      tpu.wait_indirect_dma semaphore(%arg11 : memref<!tpu.dma_semaphore, #tpu.memory_space<semaphore_mem>>) src(%dma_wait3A_140 : memref<100000x768xf32, #tpu.memory_space<hbm>>) dst(%arg7 : memref<32x768xf32, #tpu.memory_space<vmem>>)
      %mul3A_141 = arith.constant 32 : i32
      %mul3A_142 = arith.muli %add3A_134, %mul3A_141 : i32
      %add3A_143 = arith.addi %mul3A_2, %mul3A_142 : i32
      %dma_start3A_144 = arith.constant 0 : i32
      %dma_start3A_145 = tpu.memref_slice %arg4[%add3A_143, %dma_start3A_144] : memref<32768x768xf32, #tpu.memory_space<hbm>> -> memref<32x768xf32, #tpu.memory_space<hbm>>
      %dma_start3A_146 = arith.constant 0 : i32
      %dma_start3A_147 = tpu.memref_slice %arg4[%add3A_143, %dma_start3A_146] : memref<32768x768xf32, #tpu.memory_space<hbm>> -> memref<32x768xf32, #tpu.memory_space<hbm>>
      tpu.enqueue_dma source(%arg7 : memref<32x768xf32, #tpu.memory_space<vmem>>) target(%dma_start3A_147 : memref<32x768xf32, #tpu.memory_space<hbm>>) target_semaphore(%arg15 : memref<!tpu.dma_semaphore, #tpu.memory_space<semaphore_mem>>)
      %sub3A_148 = arith.constant 1 : i32
      %sub3A_149 = arith.subi %add3A_134, %sub3A_148 : i32
      %mul3A_150 = arith.constant 32 : i32
      %mul3A_151 = arith.muli %sub3A_149, %mul3A_150 : i32
      %add3A_152 = arith.addi %mul3A_2, %mul3A_151 : i32
      %dma_wait3A_153 = arith.constant 0 : i32
      %dma_wait3A_154 = tpu.memref_slice %arg4[%add3A_152, %dma_wait3A_153] : memref<32768x768xf32, #tpu.memory_space<hbm>> -> memref<32x768xf32, #tpu.memory_space<hbm>>
      %dma_wait3A_155 = arith.constant 0 : i32
      %dma_wait3A_156 = tpu.memref_slice %arg4[%add3A_152, %dma_wait3A_155] : memref<32768x768xf32, #tpu.memory_space<hbm>> -> memref<32x768xf32, #tpu.memory_space<hbm>>
      tpu.wait_dma2 semaphore(%arg14 : memref<!tpu.dma_semaphore, #tpu.memory_space<semaphore_mem>>) src(%arg6 : memref<32x768xf32, #tpu.memory_space<vmem>>) dst(%dma_wait3A_156 : memref<32x768xf32, #tpu.memory_space<hbm>>)
      %add3A_157 = arith.constant 4 : i32
      %add3A_158 = arith.addi %add3A_134, %add3A_157 : i32
      %sub3A_159 = arith.constant 1 : i32
      %sub3A_160 = arith.subi %add3A_158, %sub3A_159 : i32
      %mul3A_161 = arith.constant 32 : i32
      %mul3A_162 = arith.muli %sub3A_160, %mul3A_161 : i32
      %dma_start3A_163 = tpu.memref_slice %arg5[%mul3A_162] : memref<1024xi32, #tpu.memory_space<vmem>> -> memref<32xi32, #tpu.memory_space<vmem>>
      %dma_start3A_164 = arith.constant 0 : i32
      %dma_start3A_165 = arith.constant 0 : i32
      %dma_start3A_166 = tpu.memref_slice %arg3[%dma_start3A_164, %dma_start3A_165] : memref<100000x768xf32, #tpu.memory_space<hbm>> -> memref<100000x768xf32, #tpu.memory_space<hbm>>
      tpu.enqueue_indirect_dma source(%dma_start3A_166 : memref<100000x768xf32, #tpu.memory_space<hbm>>) target(%arg6 : memref<32x768xf32, #tpu.memory_space<vmem>>) offsets(%dma_start3A_163 : memref<32xi32, #tpu.memory_space<vmem>>) semaphore(%arg10 : memref<!tpu.dma_semaphore, #tpu.memory_space<semaphore_mem>>)
      %mul3A_167 = arith.constant 4 : i32
      %mul3A_168 = arith.muli %mul3A_167, %scan3A_126 : i32
      %add3A_169 = arith.constant 1 : i32
      %add3A_170 = arith.addi %mul3A_168, %add3A_169 : i32
      %add3A_171 = arith.constant 0 : i32
      %add3A_172 = arith.addi %add3A_170, %add3A_171 : i32
      %add3A_173 = arith.constant 1 : i32
      %add3A_174 = arith.addi %add3A_172, %add3A_173 : i32
      %mul3A_175 = arith.constant 32 : i32
      %mul3A_176 = arith.muli %add3A_174, %mul3A_175 : i32
      %dma_wait3A_177 = tpu.memref_slice %arg5[%mul3A_176] : memref<1024xi32, #tpu.memory_space<vmem>> -> memref<32xi32, #tpu.memory_space<vmem>>
      %dma_wait3A_178 = arith.constant 0 : i32
      %dma_wait3A_179 = arith.constant 0 : i32
      %dma_wait3A_180 = tpu.memref_slice %arg3[%dma_wait3A_178, %dma_wait3A_179] : memref<100000x768xf32, #tpu.memory_space<hbm>> -> memref<100000x768xf32, #tpu.memory_space<hbm>>
      tpu.wait_indirect_dma semaphore(%arg12 : memref<!tpu.dma_semaphore, #tpu.memory_space<semaphore_mem>>) src(%dma_wait3A_180 : memref<100000x768xf32, #tpu.memory_space<hbm>>) dst(%arg8 : memref<32x768xf32, #tpu.memory_space<vmem>>)
      %mul3A_181 = arith.constant 32 : i32
      %mul3A_182 = arith.muli %add3A_174, %mul3A_181 : i32
      %add3A_183 = arith.addi %mul3A_2, %mul3A_182 : i32
      %dma_start3A_184 = arith.constant 0 : i32
      %dma_start3A_185 = tpu.memref_slice %arg4[%add3A_183, %dma_start3A_184] : memref<32768x768xf32, #tpu.memory_space<hbm>> -> memref<32x768xf32, #tpu.memory_space<hbm>>
      %dma_start3A_186 = arith.constant 0 : i32
      %dma_start3A_187 = tpu.memref_slice %arg4[%add3A_183, %dma_start3A_186] : memref<32768x768xf32, #tpu.memory_space<hbm>> -> memref<32x768xf32, #tpu.memory_space<hbm>>
      tpu.enqueue_dma source(%arg8 : memref<32x768xf32, #tpu.memory_space<vmem>>) target(%dma_start3A_187 : memref<32x768xf32, #tpu.memory_space<hbm>>) target_semaphore(%arg16 : memref<!tpu.dma_semaphore, #tpu.memory_space<semaphore_mem>>)
      %sub3A_188 = arith.constant 1 : i32
      %sub3A_189 = arith.subi %add3A_174, %sub3A_188 : i32
      %mul3A_190 = arith.constant 32 : i32
      %mul3A_191 = arith.muli %sub3A_189, %mul3A_190 : i32
      %add3A_192 = arith.addi %mul3A_2, %mul3A_191 : i32
      %dma_wait3A_193 = arith.constant 0 : i32
      %dma_wait3A_194 = tpu.memref_slice %arg4[%add3A_192, %dma_wait3A_193] : memref<32768x768xf32, #tpu.memory_space<hbm>> -> memref<32x768xf32, #tpu.memory_space<hbm>>
      %dma_wait3A_195 = arith.constant 0 : i32
      %dma_wait3A_196 = tpu.memref_slice %arg4[%add3A_192, %dma_wait3A_195] : memref<32768x768xf32, #tpu.memory_space<hbm>> -> memref<32x768xf32, #tpu.memory_space<hbm>>
      tpu.wait_dma2 semaphore(%arg15 : memref<!tpu.dma_semaphore, #tpu.memory_space<semaphore_mem>>) src(%arg7 : memref<32x768xf32, #tpu.memory_space<vmem>>) dst(%dma_wait3A_196 : memref<32x768xf32, #tpu.memory_space<hbm>>)
      %add3A_197 = arith.constant 4 : i32
      %add3A_198 = arith.addi %add3A_174, %add3A_197 : i32
      %sub3A_199 = arith.constant 1 : i32
      %sub3A_200 = arith.subi %add3A_198, %sub3A_199 : i32
      %mul3A_201 = arith.constant 32 : i32
      %mul3A_202 = arith.muli %sub3A_200, %mul3A_201 : i32
      %dma_start3A_203 = tpu.memref_slice %arg5[%mul3A_202] : memref<1024xi32, #tpu.memory_space<vmem>> -> memref<32xi32, #tpu.memory_space<vmem>>
      %dma_start3A_204 = arith.constant 0 : i32
      %dma_start3A_205 = arith.constant 0 : i32
      %dma_start3A_206 = tpu.memref_slice %arg3[%dma_start3A_204, %dma_start3A_205] : memref<100000x768xf32, #tpu.memory_space<hbm>> -> memref<100000x768xf32, #tpu.memory_space<hbm>>
      tpu.enqueue_indirect_dma source(%dma_start3A_206 : memref<100000x768xf32, #tpu.memory_space<hbm>>) target(%arg7 : memref<32x768xf32, #tpu.memory_space<vmem>>) offsets(%dma_start3A_203 : memref<32xi32, #tpu.memory_space<vmem>>) semaphore(%arg11 : memref<!tpu.dma_semaphore, #tpu.memory_space<semaphore_mem>>)
      %mul3A_207 = arith.constant 4 : i32
      %mul3A_208 = arith.muli %mul3A_207, %scan3A_126 : i32
      %add3A_209 = arith.constant 1 : i32
      %add3A_210 = arith.addi %mul3A_208, %add3A_209 : i32
      %add3A_211 = arith.constant 0 : i32
      %add3A_212 = arith.addi %add3A_210, %add3A_211 : i32
      %add3A_213 = arith.constant 2 : i32
      %add3A_214 = arith.addi %add3A_212, %add3A_213 : i32
      %mul3A_215 = arith.constant 32 : i32
      %mul3A_216 = arith.muli %add3A_214, %mul3A_215 : i32
      %dma_wait3A_217 = tpu.memref_slice %arg5[%mul3A_216] : memref<1024xi32, #tpu.memory_space<vmem>> -> memref<32xi32, #tpu.memory_space<vmem>>
      %dma_wait3A_218 = arith.constant 0 : i32
      %dma_wait3A_219 = arith.constant 0 : i32
      %dma_wait3A_220 = tpu.memref_slice %arg3[%dma_wait3A_218, %dma_wait3A_219] : memref<100000x768xf32, #tpu.memory_space<hbm>> -> memref<100000x768xf32, #tpu.memory_space<hbm>>
      tpu.wait_indirect_dma semaphore(%arg13 : memref<!tpu.dma_semaphore, #tpu.memory_space<semaphore_mem>>) src(%dma_wait3A_220 : memref<100000x768xf32, #tpu.memory_space<hbm>>) dst(%arg9 : memref<32x768xf32, #tpu.memory_space<vmem>>)
      %mul3A_221 = arith.constant 32 : i32
      %mul3A_222 = arith.muli %add3A_214, %mul3A_221 : i32
      %add3A_223 = arith.addi %mul3A_2, %mul3A_222 : i32
      %dma_start3A_224 = arith.constant 0 : i32
      %dma_start3A_225 = tpu.memref_slice %arg4[%add3A_223, %dma_start3A_224] : memref<32768x768xf32, #tpu.memory_space<hbm>> -> memref<32x768xf32, #tpu.memory_space<hbm>>
      %dma_start3A_226 = arith.constant 0 : i32
      %dma_start3A_227 = tpu.memref_slice %arg4[%add3A_223, %dma_start3A_226] : memref<32768x768xf32, #tpu.memory_space<hbm>> -> memref<32x768xf32, #tpu.memory_space<hbm>>
      tpu.enqueue_dma source(%arg9 : memref<32x768xf32, #tpu.memory_space<vmem>>) target(%dma_start3A_227 : memref<32x768xf32, #tpu.memory_space<hbm>>) target_semaphore(%arg17 : memref<!tpu.dma_semaphore, #tpu.memory_space<semaphore_mem>>)
      %sub3A_228 = arith.constant 1 : i32
      %sub3A_229 = arith.subi %add3A_214, %sub3A_228 : i32
      %mul3A_230 = arith.constant 32 : i32
      %mul3A_231 = arith.muli %sub3A_229, %mul3A_230 : i32
      %add3A_232 = arith.addi %mul3A_2, %mul3A_231 : i32
      %dma_wait3A_233 = arith.constant 0 : i32
      %dma_wait3A_234 = tpu.memref_slice %arg4[%add3A_232, %dma_wait3A_233] : memref<32768x768xf32, #tpu.memory_space<hbm>> -> memref<32x768xf32, #tpu.memory_space<hbm>>
      %dma_wait3A_235 = arith.constant 0 : i32
      %dma_wait3A_236 = tpu.memref_slice %arg4[%add3A_232, %dma_wait3A_235] : memref<32768x768xf32, #tpu.memory_space<hbm>> -> memref<32x768xf32, #tpu.memory_space<hbm>>
      tpu.wait_dma2 semaphore(%arg16 : memref<!tpu.dma_semaphore, #tpu.memory_space<semaphore_mem>>) src(%arg8 : memref<32x768xf32, #tpu.memory_space<vmem>>) dst(%dma_wait3A_236 : memref<32x768xf32, #tpu.memory_space<hbm>>)
      %add3A_237 = arith.constant 4 : i32
      %add3A_238 = arith.addi %add3A_214, %add3A_237 : i32
      %sub3A_239 = arith.constant 1 : i32
      %sub3A_240 = arith.subi %add3A_238, %sub3A_239 : i32
      %mul3A_241 = arith.constant 32 : i32
      %mul3A_242 = arith.muli %sub3A_240, %mul3A_241 : i32
      %dma_start3A_243 = tpu.memref_slice %arg5[%mul3A_242] : memref<1024xi32, #tpu.memory_space<vmem>> -> memref<32xi32, #tpu.memory_space<vmem>>
      %dma_start3A_244 = arith.constant 0 : i32
      %dma_start3A_245 = arith.constant 0 : i32
      %dma_start3A_246 = tpu.memref_slice %arg3[%dma_start3A_244, %dma_start3A_245] : memref<100000x768xf32, #tpu.memory_space<hbm>> -> memref<100000x768xf32, #tpu.memory_space<hbm>>
      tpu.enqueue_indirect_dma source(%dma_start3A_246 : memref<100000x768xf32, #tpu.memory_space<hbm>>) target(%arg8 : memref<32x768xf32, #tpu.memory_space<vmem>>) offsets(%dma_start3A_243 : memref<32xi32, #tpu.memory_space<vmem>>) semaphore(%arg12 : memref<!tpu.dma_semaphore, #tpu.memory_space<semaphore_mem>>)
      %mul3A_247 = arith.constant 4 : i32
      %mul3A_248 = arith.muli %mul3A_247, %scan3A_126 : i32
      %add3A_249 = arith.constant 1 : i32
      %add3A_250 = arith.addi %mul3A_248, %add3A_249 : i32
      %add3A_251 = arith.constant 0 : i32
      %add3A_252 = arith.addi %add3A_250, %add3A_251 : i32
      %add3A_253 = arith.constant 3 : i32
      %add3A_254 = arith.addi %add3A_252, %add3A_253 : i32
      %mul3A_255 = arith.constant 32 : i32
      %mul3A_256 = arith.muli %add3A_254, %mul3A_255 : i32
      %dma_wait3A_257 = tpu.memref_slice %arg5[%mul3A_256] : memref<1024xi32, #tpu.memory_space<vmem>> -> memref<32xi32, #tpu.memory_space<vmem>>
      %dma_wait3A_258 = arith.constant 0 : i32
      %dma_wait3A_259 = arith.constant 0 : i32
      %dma_wait3A_260 = tpu.memref_slice %arg3[%dma_wait3A_258, %dma_wait3A_259] : memref<100000x768xf32, #tpu.memory_space<hbm>> -> memref<100000x768xf32, #tpu.memory_space<hbm>>
      tpu.wait_indirect_dma semaphore(%arg10 : memref<!tpu.dma_semaphore, #tpu.memory_space<semaphore_mem>>) src(%dma_wait3A_260 : memref<100000x768xf32, #tpu.memory_space<hbm>>) dst(%arg6 : memref<32x768xf32, #tpu.memory_space<vmem>>)
      %mul3A_261 = arith.constant 32 : i32
      %mul3A_262 = arith.muli %add3A_254, %mul3A_261 : i32
      %add3A_263 = arith.addi %mul3A_2, %mul3A_262 : i32
      %dma_start3A_264 = arith.constant 0 : i32
      %dma_start3A_265 = tpu.memref_slice %arg4[%add3A_263, %dma_start3A_264] : memref<32768x768xf32, #tpu.memory_space<hbm>> -> memref<32x768xf32, #tpu.memory_space<hbm>>
      %dma_start3A_266 = arith.constant 0 : i32
      %dma_start3A_267 = tpu.memref_slice %arg4[%add3A_263, %dma_start3A_266] : memref<32768x768xf32, #tpu.memory_space<hbm>> -> memref<32x768xf32, #tpu.memory_space<hbm>>
      tpu.enqueue_dma source(%arg6 : memref<32x768xf32, #tpu.memory_space<vmem>>) target(%dma_start3A_267 : memref<32x768xf32, #tpu.memory_space<hbm>>) target_semaphore(%arg14 : memref<!tpu.dma_semaphore, #tpu.memory_space<semaphore_mem>>)
      %sub3A_268 = arith.constant 1 : i32
      %sub3A_269 = arith.subi %add3A_254, %sub3A_268 : i32
      %mul3A_270 = arith.constant 32 : i32
      %mul3A_271 = arith.muli %sub3A_269, %mul3A_270 : i32
      %add3A_272 = arith.addi %mul3A_2, %mul3A_271 : i32
      %dma_wait3A_273 = arith.constant 0 : i32
      %dma_wait3A_274 = tpu.memref_slice %arg4[%add3A_272, %dma_wait3A_273] : memref<32768x768xf32, #tpu.memory_space<hbm>> -> memref<32x768xf32, #tpu.memory_space<hbm>>
      %dma_wait3A_275 = arith.constant 0 : i32
      %dma_wait3A_276 = tpu.memref_slice %arg4[%add3A_272, %dma_wait3A_275] : memref<32768x768xf32, #tpu.memory_space<hbm>> -> memref<32x768xf32, #tpu.memory_space<hbm>>
      tpu.wait_dma2 semaphore(%arg17 : memref<!tpu.dma_semaphore, #tpu.memory_space<semaphore_mem>>) src(%arg9 : memref<32x768xf32, #tpu.memory_space<vmem>>) dst(%dma_wait3A_276 : memref<32x768xf32, #tpu.memory_space<hbm>>)
      %add3A_277 = arith.constant 4 : i32
      %add3A_278 = arith.addi %add3A_254, %add3A_277 : i32
      %sub3A_279 = arith.constant 1 : i32
      %sub3A_280 = arith.subi %add3A_278, %sub3A_279 : i32
      %mul3A_281 = arith.constant 32 : i32
      %mul3A_282 = arith.muli %sub3A_280, %mul3A_281 : i32
      %dma_start3A_283 = tpu.memref_slice %arg5[%mul3A_282] : memref<1024xi32, #tpu.memory_space<vmem>> -> memref<32xi32, #tpu.memory_space<vmem>>
      %dma_start3A_284 = arith.constant 0 : i32
      %dma_start3A_285 = arith.constant 0 : i32
      %dma_start3A_286 = tpu.memref_slice %arg3[%dma_start3A_284, %dma_start3A_285] : memref<100000x768xf32, #tpu.memory_space<hbm>> -> memref<100000x768xf32, #tpu.memory_space<hbm>>
      tpu.enqueue_indirect_dma source(%dma_start3A_286 : memref<100000x768xf32, #tpu.memory_space<hbm>>) target(%arg9 : memref<32x768xf32, #tpu.memory_space<vmem>>) offsets(%dma_start3A_283 : memref<32xi32, #tpu.memory_space<vmem>>) semaphore(%arg13 : memref<!tpu.dma_semaphore, #tpu.memory_space<semaphore_mem>>)
    }
    %scan3A_68 = arith.constant 7 : i32
    %dma_wait3A_69 = arith.constant 928 : i32
    %dma_wait3A_70 = tpu.memref_slice %arg5[%dma_wait3A_69] : memref<1024xi32, #tpu.memory_space<vmem>> -> memref<32xi32, #tpu.memory_space<vmem>>
    %dma_wait3A_71 = arith.constant 0 : i32
    %dma_wait3A_72 = arith.constant 0 : i32
    %dma_wait3A_73 = tpu.memref_slice %arg3[%dma_wait3A_71, %dma_wait3A_72] : memref<100000x768xf32, #tpu.memory_space<hbm>> -> memref<100000x768xf32, #tpu.memory_space<hbm>>
    tpu.wait_indirect_dma semaphore(%arg11 : memref<!tpu.dma_semaphore, #tpu.memory_space<semaphore_mem>>) src(%dma_wait3A_73 : memref<100000x768xf32, #tpu.memory_space<hbm>>) dst(%arg7 : memref<32x768xf32, #tpu.memory_space<vmem>>)
    %add3A_74 = arith.constant 928 : i32
    %add3A_75 = arith.addi %mul3A_2, %add3A_74 : i32
    %dma_start3A_76 = arith.constant 0 : i32
    %dma_start3A_77 = tpu.memref_slice %arg4[%add3A_75, %dma_start3A_76] : memref<32768x768xf32, #tpu.memory_space<hbm>> -> memref<32x768xf32, #tpu.memory_space<hbm>>
    %dma_start3A_78 = arith.constant 0 : i32
    %dma_start3A_79 = tpu.memref_slice %arg4[%add3A_75, %dma_start3A_78] : memref<32768x768xf32, #tpu.memory_space<hbm>> -> memref<32x768xf32, #tpu.memory_space<hbm>>
    tpu.enqueue_dma source(%arg7 : memref<32x768xf32, #tpu.memory_space<vmem>>) target(%dma_start3A_79 : memref<32x768xf32, #tpu.memory_space<hbm>>) target_semaphore(%arg15 : memref<!tpu.dma_semaphore, #tpu.memory_space<semaphore_mem>>)
    %dma_wait3A_80 = arith.constant 960 : i32
    %dma_wait3A_81 = tpu.memref_slice %arg5[%dma_wait3A_80] : memref<1024xi32, #tpu.memory_space<vmem>> -> memref<32xi32, #tpu.memory_space<vmem>>
    %dma_wait3A_82 = arith.constant 0 : i32
    %dma_wait3A_83 = arith.constant 0 : i32
    %dma_wait3A_84 = tpu.memref_slice %arg3[%dma_wait3A_82, %dma_wait3A_83] : memref<100000x768xf32, #tpu.memory_space<hbm>> -> memref<100000x768xf32, #tpu.memory_space<hbm>>
    tpu.wait_indirect_dma semaphore(%arg12 : memref<!tpu.dma_semaphore, #tpu.memory_space<semaphore_mem>>) src(%dma_wait3A_84 : memref<100000x768xf32, #tpu.memory_space<hbm>>) dst(%arg8 : memref<32x768xf32, #tpu.memory_space<vmem>>)
    %add3A_85 = arith.constant 960 : i32
    %add3A_86 = arith.addi %mul3A_2, %add3A_85 : i32
    %dma_start3A_87 = arith.constant 0 : i32
    %dma_start3A_88 = tpu.memref_slice %arg4[%add3A_86, %dma_start3A_87] : memref<32768x768xf32, #tpu.memory_space<hbm>> -> memref<32x768xf32, #tpu.memory_space<hbm>>
    %dma_start3A_89 = arith.constant 0 : i32
    %dma_start3A_90 = tpu.memref_slice %arg4[%add3A_86, %dma_start3A_89] : memref<32768x768xf32, #tpu.memory_space<hbm>> -> memref<32x768xf32, #tpu.memory_space<hbm>>
    tpu.enqueue_dma source(%arg8 : memref<32x768xf32, #tpu.memory_space<vmem>>) target(%dma_start3A_90 : memref<32x768xf32, #tpu.memory_space<hbm>>) target_semaphore(%arg16 : memref<!tpu.dma_semaphore, #tpu.memory_space<semaphore_mem>>)
    %dma_wait3A_91 = arith.constant 992 : i32
    %dma_wait3A_92 = tpu.memref_slice %arg5[%dma_wait3A_91] : memref<1024xi32, #tpu.memory_space<vmem>> -> memref<32xi32, #tpu.memory_space<vmem>>
    %dma_wait3A_93 = arith.constant 0 : i32
    %dma_wait3A_94 = arith.constant 0 : i32
    %dma_wait3A_95 = tpu.memref_slice %arg3[%dma_wait3A_93, %dma_wait3A_94] : memref<100000x768xf32, #tpu.memory_space<hbm>> -> memref<100000x768xf32, #tpu.memory_space<hbm>>
    tpu.wait_indirect_dma semaphore(%arg13 : memref<!tpu.dma_semaphore, #tpu.memory_space<semaphore_mem>>) src(%dma_wait3A_95 : memref<100000x768xf32, #tpu.memory_space<hbm>>) dst(%arg9 : memref<32x768xf32, #tpu.memory_space<vmem>>)
    %add3A_96 = arith.constant 992 : i32
    %add3A_97 = arith.addi %mul3A_2, %add3A_96 : i32
    %dma_start3A_98 = arith.constant 0 : i32
    %dma_start3A_99 = tpu.memref_slice %arg4[%add3A_97, %dma_start3A_98] : memref<32768x768xf32, #tpu.memory_space<hbm>> -> memref<32x768xf32, #tpu.memory_space<hbm>>
    %dma_start3A_100 = arith.constant 0 : i32
    %dma_start3A_101 = tpu.memref_slice %arg4[%add3A_97, %dma_start3A_100] : memref<32768x768xf32, #tpu.memory_space<hbm>> -> memref<32x768xf32, #tpu.memory_space<hbm>>
    tpu.enqueue_dma source(%arg9 : memref<32x768xf32, #tpu.memory_space<vmem>>) target(%dma_start3A_101 : memref<32x768xf32, #tpu.memory_space<hbm>>) target_semaphore(%arg17 : memref<!tpu.dma_semaphore, #tpu.memory_space<semaphore_mem>>)
    %add3A_102 = arith.constant 896 : i32
    %add3A_103 = arith.addi %mul3A_2, %add3A_102 : i32
    %dma_wait3A_104 = arith.constant 0 : i32
    %dma_wait3A_105 = tpu.memref_slice %arg4[%add3A_103, %dma_wait3A_104] : memref<32768x768xf32, #tpu.memory_space<hbm>> -> memref<32x768xf32, #tpu.memory_space<hbm>>
    %dma_wait3A_106 = arith.constant 0 : i32
    %dma_wait3A_107 = tpu.memref_slice %arg4[%add3A_103, %dma_wait3A_106] : memref<32768x768xf32, #tpu.memory_space<hbm>> -> memref<32x768xf32, #tpu.memory_space<hbm>>
    tpu.wait_dma2 semaphore(%arg14 : memref<!tpu.dma_semaphore, #tpu.memory_space<semaphore_mem>>) src(%arg6 : memref<32x768xf32, #tpu.memory_space<vmem>>) dst(%dma_wait3A_107 : memref<32x768xf32, #tpu.memory_space<hbm>>)
    %add3A_108 = arith.constant 928 : i32
    %add3A_109 = arith.addi %mul3A_2, %add3A_108 : i32
    %dma_wait3A_110 = arith.constant 0 : i32
    %dma_wait3A_111 = tpu.memref_slice %arg4[%add3A_109, %dma_wait3A_110] : memref<32768x768xf32, #tpu.memory_space<hbm>> -> memref<32x768xf32, #tpu.memory_space<hbm>>
    %dma_wait3A_112 = arith.constant 0 : i32
    %dma_wait3A_113 = tpu.memref_slice %arg4[%add3A_109, %dma_wait3A_112] : memref<32768x768xf32, #tpu.memory_space<hbm>> -> memref<32x768xf32, #tpu.memory_space<hbm>>
    tpu.wait_dma2 semaphore(%arg15 : memref<!tpu.dma_semaphore, #tpu.memory_space<semaphore_mem>>) src(%arg7 : memref<32x768xf32, #tpu.memory_space<vmem>>) dst(%dma_wait3A_113 : memref<32x768xf32, #tpu.memory_space<hbm>>)
    %add3A_114 = arith.constant 960 : i32
    %add3A_115 = arith.addi %mul3A_2, %add3A_114 : i32
    %dma_wait3A_116 = arith.constant 0 : i32
    %dma_wait3A_117 = tpu.memref_slice %arg4[%add3A_115, %dma_wait3A_116] : memref<32768x768xf32, #tpu.memory_space<hbm>> -> memref<32x768xf32, #tpu.memory_space<hbm>>
    %dma_wait3A_118 = arith.constant 0 : i32
    %dma_wait3A_119 = tpu.memref_slice %arg4[%add3A_115, %dma_wait3A_118] : memref<32768x768xf32, #tpu.memory_space<hbm>> -> memref<32x768xf32, #tpu.memory_space<hbm>>
    tpu.wait_dma2 semaphore(%arg16 : memref<!tpu.dma_semaphore, #tpu.memory_space<semaphore_mem>>) src(%arg8 : memref<32x768xf32, #tpu.memory_space<vmem>>) dst(%dma_wait3A_119 : memref<32x768xf32, #tpu.memory_space<hbm>>)
    %add3A_120 = arith.constant 992 : i32
    %add3A_121 = arith.addi %mul3A_2, %add3A_120 : i32
    %dma_wait3A_122 = arith.constant 0 : i32
    %dma_wait3A_123 = tpu.memref_slice %arg4[%add3A_121, %dma_wait3A_122] : memref<32768x768xf32, #tpu.memory_space<hbm>> -> memref<32x768xf32, #tpu.memory_space<hbm>>
    %dma_wait3A_124 = arith.constant 0 : i32
    %dma_wait3A_125 = tpu.memref_slice %arg4[%add3A_121, %dma_wait3A_124] : memref<32768x768xf32, #tpu.memory_space<hbm>> -> memref<32x768xf32, #tpu.memory_space<hbm>>
    tpu.wait_dma2 semaphore(%arg17 : memref<!tpu.dma_semaphore, #tpu.memory_space<semaphore_mem>>) src(%arg9 : memref<32x768xf32, #tpu.memory_space<vmem>>) dst(%dma_wait3A_125 : memref<32x768xf32, #tpu.memory_space<hbm>>)
    return
  }
}

</mosaic_0001>

<sc_bundles>
// kernel: kernel.3.cloned.1.call-start
scs
__scs_entry_jumppad:
0x0: {  	(pc) =	sbr.rel $0x88, $3  }
0x1: {  	(tag) =	ssettag $0x0;
	lr =	simm.s32 $0x1  }
0x2: {  	[smem:$0x3F9F] =	sst lr;
	_ =	strace $0xD0000000  }
0x3: {  	_ = 	snop  }
0x4: {  	_ = 	snop  }
0x5: {  	_ = 	snop  }
0x6: {  	_ = 	snop  }
0x7: {  	_ = 	snop  }
__scs_overlays_trampoline_lowered:
0x8: {  	[smem:$0x3FAE] =	sst s0  }
0x9: {  	[smem:$0x3FAF] =	sst s1  }
0xa: {  	[smem:$0x3FB0] =	sst s2  }
0xb: {  	[smem:$0x3FB1] =	sst s3  }
0xc: {  	[smem:$0x3FB2] =	sst s4  }
0xd: {  	[smem:$0x3FB3] =	sst s5  }
0xe: {  	[smem:$0x3FB4] =	sst s6  }
0xf: {  	[smem:$0x3FB5] =	sst s7  }
0x10: {  	[smem:$0x3FB6] =	sst s8  }
0x11: {  	[smem:$0x3FB7] =	sst s9;
	s0 =	simm.s32 @!p0 $0x0  }
0x12: {  	s1 =	sld [smem:$0x3F9D];
	s0 =	simm.s32 @p0 $0x1  }
0x13: {  	[smem:$0x3FB8] =	sst s0;
	s0 =	simm.s32 @!p1 $0x0  }
0x14: {  	s2 =	sld [smem:$0x3F9C];
	s0 =	simm.s32 @p1 $0x1  }
0x15: {  	[smem:$0x3FB9] =	sst s0;
	s0 =	simm.s32 @!p2 $0x0  }
0x16: {  	s3 =	sld [smem:$0x3FDB];
	s0 =	simm.s32 @p2 $0x1  }
0x17: {  	s4 =	simm.s32 $0x1BF5;
	[smem:$0x3FBB] =	sst s0  }
0x18: {  	s0 =	sld [smem:$0x3F9E];
	_ =	swait.ge [sflag:s4], $0x0  }
0x19: {  	s7 =	sld [smem:$0x3F9F]  }
0x1a: {  	s8 =	sadd.s32 $0xFFFFE003, lr  }
0x1b: {  	s9 =	sadd.s32 $0xFFFFFEF7, lr;
	s5 =	simm.s32 $0xFFFFFFFF;
	p2 =	slt.u32 s8, $0xFFFFF086  }
0x1c: {  	p1 =	slt.u32 s9, $0xF7A;
	s5 =	simm.s32 @!p2 $0x0  }
0x1d: {  	s5 =	simm.s32 @p1 $0x1;
	p0 =	seq.s32 s7, s2  }
0x1e: {  	s7 =	smul.u32 @!p0 $0xF7A, s2;
	p2 =	seq.s32 @!p0 s5, $0x0  }
0x1f: {  	s9 =	smul.u32 $0xF7A, s1;
	s8 =	simm.s32 @!p0 $0x1BF5;
	p2 =	por !p2, p0  }
0x20: {  	[sflag:s8] =	ssyncset.s32 @!p0 $0xFFFFF086;
	s6 =	sadd.s32 @!p0 s3, s7;
	s7 =	simm.s32 @!p0 $0x108  }
0x21: {  	s3 =	sadd.s32 s3, s9;
	s6 =	sadd.s32 @!p0 $0x88, s6;
	s7 =	simm.s32 @p2 $0x1082  }
0x22: {  	[simem:s7], [sflag:s8] =	dma.local @!p0 [hbm:s6], $0xF7A  }
0x23: {  	s9 =	sor.u32 $0xD0000000, s2;
	s6 =	simm.s32 $0x108;
	_ =	swait.ge @!p0 [sflag:s8], $0x0  }
0x24: {  	s3 =	sadd.s32 $0x88, s3;
	s6 =	simm.s32 @!p1 $0x1082;
	[sflag:s4] =	ssyncset.s32 $0xFFFFF086  }
0x25: {  	[simem:s6], [sflag:s4] =	dma.local [hbm:s3], $0xF7A  }
0x26: {  	[smem:$0x3F9F] =	sst s1;
	(tag) =	ssettag s2;
	_ =	strace s9  }
0x27: {  	s1 =	sld [smem:$0x3FAF]  }
0x28: {  	s2 =	sld [smem:$0x3FB0]  }
0x29: {  	s4 =	sld [smem:$0x3FB2]  }
0x2a: {  	p0 =	seq.s32 s5, $0x0;
	s5 =	sld [smem:$0x3FB3]  }
0x2b: {  	s6 =	sld [smem:$0x3FB4]  }
0x2c: {  	s7 =	sld [smem:$0x3FB5]  }
0x2d: {  	s3 =	simm.s32 $0x108;
	s8 =	sld [smem:$0x3FB6]  }
0x2e: {  	s3 =	simm.s32 @!p0 $0x1082;
	s9 =	sld [smem:$0x3FB7]  }
0x2f: {  	lr =	sadd.s32 s0, s3;
	s0 =	sld [smem:$0x3FAE]  }
0x30: {  	s3 =	sld [smem:$0x3FB1]  }
0x31: {  	[smem:$0x3FBA] =	sst s10  }
0x32: {  	s10 =	sld [smem:$0x3FB8];
	_ =	sdelay $0x3  }
0x33: {  	p0 =	seq.s32 s10, $0x1;
	s10 =	sld [smem:$0x3FBA];
	_ =	sdelay $0x3  }
0x34: {  	[smem:$0x3FBA] =	sst s10  }
0x35: {  	s10 =	sld [smem:$0x3FB9];
	_ =	sdelay $0x3  }
0x36: {  	p1 =	seq.s32 s10, $0x1;
	s10 =	sld [smem:$0x3FBA];
	_ =	sdelay $0x3  }
0x37: {  	[smem:$0x3FBA] =	sst s10  }
0x38: {  	s10 =	sld [smem:$0x3FBB]  }
0x39: {  	_ = 	snop;
	(pc) =	sbr.ind lr, $3  }
0x3a: {  	_ = 	snop  }
0x3b: {  	_ = 	snop  }
0x3c: {  	p2 =	seq.s32 s10, $0x1;
	s10 =	sld [smem:$0x3FBA]  }
0x3d: {  	_ =	shalt  }
0x3e: {  	_ =	shalt  }
0x3f: {  	_ =	shalt  }
0x40: {  	_ =	shalt  }
0x41: {  	_ =	shalt  }
0x42: {  	_ =	shalt  }
0x43: {  	_ =	shalt  }
0x44: {  	_ =	shalt  }
0x45: {  	_ =	shalt  }
0x46: {  	_ =	shalt  }
0x47: {  	_ =	shalt  }
0x48: {  	_ =	shalt  }
0x49: {  	_ =	shalt  }
0x4a: {  	_ =	shalt  }
0x4b: {  	_ =	shalt  }
0x4c: {  	_ =	shalt  }
0x4d: {  	_ =	shalt  }
0x4e: {  	_ =	shalt  }
0x4f: {  	_ =	shalt  }
0x50: {  	_ =	shalt  }
0x51: {  	_ =	shalt  }
0x52: {  	_ =	shalt  }
0x53: {  	_ =	shalt  }
0x54: {  	_ =	shalt  }
0x55: {  	_ =	shalt  }
0x56: {  	_ =	shalt  }
0x57: {  	_ =	shalt  }
0x58: {  	_ =	shalt  }
0x59: {  	_ =	shalt  }
0x5a: {  	_ =	shalt  }
0x5b: {  	_ =	shalt  }
0x5c: {  	_ =	shalt  }
0x5d: {  	_ =	shalt  }
0x5e: {  	_ =	shalt  }
0x5f: {  	_ =	shalt  }
0x60: {  	_ =	shalt  }
0x61: {  	_ =	shalt  }
0x62: {  	_ =	shalt  }
0x63: {  	_ =	shalt  }
0x64: {  	_ =	shalt  }
0x65: {  	_ =	shalt  }
0x66: {  	_ =	shalt  }
0x67: {  	_ =	shalt  }
0x68: {  	_ =	shalt  }
0x69: {  	_ =	shalt  }
0x6a: {  	_ =	shalt  }
0x6b: {  	_ =	shalt  }
0x6c: {  	_ =	shalt  }
0x6d: {  	_ =	shalt  }
0x6e: {  	_ =	shalt  }
0x6f: {  	_ =	shalt  }
0x70: {  	_ =	shalt  }
0x71: {  	_ =	shalt  }
0x72: {  	_ =	shalt  }
0x73: {  	_ =	shalt  }
0x74: {  	_ =	shalt  }
0x75: {  	_ =	shalt  }
0x76: {  	_ =	shalt  }
0x77: {  	_ =	shalt  }
0x78: {  	_ =	shalt  }
0x79: {  	_ =	shalt  }
0x7a: {  	_ =	shalt  }
0x7b: {  	_ =	shalt  }
0x7c: {  	_ =	shalt  }
0x7d: {  	_ =	shalt  }
0x7e: {  	_ =	shalt  }
0x7f: {  	_ =	shalt  }
0x80: {  	_ =	shalt  }
0x81: {  	_ =	shalt  }
0x82: {  	_ =	shalt  }
0x83: {  	_ =	shalt  }
0x84: {  	_ =	shalt  }
0x85: {  	_ =	shalt  }
0x86: {  	_ =	shalt  }
0x87: {  	_ =	shalt  }
.Lfunc_end0:
.L_simem_size_0:
called_computation_lowered:
.L_overlay_start_0:
0x88: {  	s2 =	sld [smem:$0x3FD9]  }
0x89: {  	s3 =	sld [smem:$0x3FFE];
	_ =	sdelay $0x1  }
0x8a: {  	s1 =	srdreg.scid  }
0x8b: {  	s0 =	sand.u32 $0x1, s1  }
0x8c: {  	s18 =	sshll.u32 s0, $0xA;
	s2 =	sadd.s32 s3, s2  }
0x8d: {  	s2 =	sadd.s32 s2, s18  }
0x8e: {  	[smem:$0x3FC6] =	sst s2  }
0x8f: {  	_ = 	snop  }
0x90: {  	s2 =	sld [smem:$0x3FC9]  }
0x91: {  	s19 =	sld [smem:$0x3FC8]  }
0x92: {  	s4 =	sld [smem:$0x3FD0];
	(tm) =	ssettm $0x1  }
0x93: {  	s5 =	sld [smem:$0x3FFB];
	_ =	sdelay $0x3  }
0x94: {  	_ =	strace s5  }
0x95: {  	s5 =	sld [smem:$0x3FFC];
	_ =	sdelay $0x3  }
0x96: {  	_ =	strace s5  }
0x97: {  	s5 =	sld [smem:$0x3FFD];
	_ =	sdelay $0x3  }
0x98: {  	_ =	strace s5  }
0x99: {  	_ =	strace $0x8FFFFFFF  }
0x9a: {  	s20 =	sld [smem:$0x3FDB];
	_ =	sdelay $0x1  }
0x9b: {  	s6 =	simm.s32 $_scs_section_size  }
0x9c: {  	s7 =	simm.s32 $_size__tile_overlayer_lowered;
	s8 =	simm.s32 $_tile_overlayer_lowered  }
0x9d: {  	s23 =	simm.s32 $0x1BFF;
	s22 =	sshll.u32 s8, $0x1;
	s5 =	sadd.s32 s6, s20  }
0x9e: {  	s9 =	simm.s32 $0x0;
	s21 =	sshll.u32 s7, $0x1;
	s7 =	sadd.s32 s22, s5  }
0x9f: {  	[timem:s9], [sflag:s23] =	dma.local [hbm:s7], s21  }
0xa0: {  	_ =	swait.ge [sflag:s23], s21  }
0xa1: {  	s6 =	ssub.s32 $0x0, s21;
	[sflag:s23] =	ssyncset.done $0x0  }
0xa2: {  	[sflag:s23] =	ssyncadd.s32 s6;
	_ =	sdelay $0x1  }
0xa3: {  	s24 =	simm.s32 $0x1B8B  }
0xa4: {  	_ =	swait.ge [sflag:s24], $0x1  }
0xa5: {  	[sflag:s24] =	ssyncset.done $0x0  }
0xa6: {  	s25 =	simm.s32 $0x1B8E;
	[sflag:s24] =	ssyncadd.s32 $0xFFFFFFFF  }
0xa7: {  	s26 =	simm.s32 $execute0_lowered;
	[smem:$0x3FD2] =	sst s25  }
0xa8: {  	s6 =	sshll.u32 s26, $0x1;
	_ =	strace $0x80000046;
	[dreg:$0x1] =	wrdreg $0xFFFFFFFF  }
0xa9: {  	s28 =	simm.s32 $_size_execute0_lowered;
	s5 =	sadd.s32 s5, s6;
	[dreg:$0x0] =	wrdreg $0x0  }
0xaa: {  	s6 =	sshll.u32 s28, $0x1;
	[dreg:$0x2] =	wrdreg s5  }
0xab: {  	[dreg:$0x3] =	wrdreg s6  }
0xac: {  	[dreg:$0x4] =	wrdreg $0xC0  }
0xad: {  	_ =	task [dreg:s9], $0x5FFFF  }
0xae: {  	[dreg:$0x1] =	wrdreg $0xFFFFFFFF  }
0xaf: {  	[dreg:$0x0] =	wrdreg $0x60  }
0xb0: {  	[dreg:$0x2] =	wrdreg s2  }
0xb1: {  	[dreg:$0x3] =	wrdreg s19  }
0xb2: {  	[dreg:$0x4] =	wrdreg s4  }
0xb3: {  	[dreg:$0x5] =	wrdreg $0x9  }
0xb4: {  	_ =	task.clear_ibuf [dreg:s9], $0x6FFFF;
	_ =	strace $0x90000046  }
0xb5: {  	s29 =	simm.s32 $0x9;
	_ =	strace $0x80000048  }
0xb6: {  	_ =	swait.ge [sflag:s29], $0x1  }
0xb7: {  	[sflag:s29] =	ssyncadd.s32 $0xFFFFFFFF  }
0xb8: {  	_ =	strace $0x90000048  }
0xb9: {  	_ =	sfence  }
0xba: {  	s30 =	sld [smem:$0x0];
	_ =	sdelay $0x2  }
0xbb: {  	s31 =	sshll.u32 s1, $0xD;
	s1 =	sshrl.u32 s1, $0x2  }
0xbc: {  	s3 =	sand.u32 $0x4000, s31;
	s1 =	sadd.s32 s1, s30  }
0xbd: {  	s0 =	sor.u32 s3, s0;
	s1 =	sshll.u32 s1, $0x11  }
0xbe: {  	s0 =	sor.u32 s1, s0  }
0xbf: {  	s0 =	sadd.s32 $0x8F2B, s0  }
0xc0: {  	[sflag:s0] =	ssyncadd.remote.s32 $0x1  }
0xc1: {  	_ =	sfence.sel $0xFFFF  }
0xc2: {  	[dreg:$0x0] =	wrdreg $0xFFFFFFFF;
	(pc) =	sbr.abs _section_cstart, $3  }
0xc3: {  	[dreg:$0x1] =	wrdreg $0xFFFFFFFF  }
0xc4: {  	_ =	task.clear_ibuf [dreg:s9], $0x2FFFF;
	_ =	strace $0x9FFFFFFF  }
0xc5: {  	(tm) =	ssettm $0x7FFFFFFF  }
tec
execute0_lowered:
.L_overlay_start_1:
0x0: {  	(tag) =	ssettag $0x1  }
0x1: {  	s0 =	rddreg [dreg:$0x0]  }
0x2: {  	s1 =	rddreg [dreg:$0x1]  }
0x3: {  	s2 =	rddreg [dreg:$0x2];
	s4 =	srdreg.scid;
	s3 =	simm.s32 $0x0  }
0x4: {  	s9 =	stileid.u32;
	s28 =	simm.s32 $0xC00;
	s29 =	simm.s32 $0x1400  }
0x5: {  	s30 =	simm.s32 $0x1C00;
	s31 =	simm.s32 $0x2400;
	s12 =	simm.s32 $0x3400  }
0x6: {  	s13 =	simm.s32 $0x3C00;
	s15 =	simm.s32 $0x6C00;
	s10 =	simm.s32 $0x7400  }
0x7: {  	s11 =	simm.s32 $0x2;
	s14 =	simm.s32 $0x5;
	s16 =	simm.s32 $0x3  }
0x8: {  	s17 =	simm.s32 $0x6;
	s18 =	simm.s32 $0x4;
	s4 =	sand.u32 $0x1, s4  }
0x9: {  	[smem:$0x7FF] =	sst s3;
	s6 =	sshll.u32 s9, $0x1;
	s8 =	sshll.u32 s9, $0x2  }
0xa: {  	s9 =	sshll.u32 s9, $0xB;
	s5 =	ssub.s32 $0x2, s4;
	_ =	strace $0x80000047  }
0xb: {  	s6 =	sor.u32 s4, s6;
	s8 =	sand.u32 $0x30, s8;
	s4 =	sshll.u32 s4, $0xA  }
0xc: {  	s7 =	sshrl.u32 s5, $0x1;
	s19 =	sshll.u32 s6, $0x9;
	s20 =	smul.u32 $0xC0000, s6  }
0xd: {  	s0 =	sadd.s32 s0, s8;
	s4 =	sor.u32 s4, s9;
	s22 =	smul.u32 $0x18000, s6  }
0xe: {  	s6 =	sadd.s32 $0x200, s1;
	s7 =	ssub.s32 s5, s7;
	s5 =	sand.u32 $0xE00, s19  }
0xf: {  	s21 =	sor.u32 $0x80, s4;
	s4 =	sshrl.u32 s4, $0x3;
	s19 =	simm.s32 $0x7  }
0x10: {  	s0 =	sadd.s32 s5, s0;
	s5 =	sadd.s32 $0x100, s1;
	s23 =	sshrl.u32 s21, $0x3  }
0x11: {  	s4 =	smul.u32 $0x300, s4;
	s9 =	sadd.s32 s2, s22;
	s26 =	smax.u32 s7, $0x1  }
0x12: {  	s7 =	simm.s32 $0x4C00;
	[dreg:$0x6] =	wrdreg s0;
	s0 =	sshrl.u32 s20, $0x3  }
0x13: {  	s22 =	simm.s32 $0x0;
	[dreg:$0x7] =	wrdreg s9;
	s0 =	sadd.s32 s2, s0  }
0x14: {  	s8 =	smul.u32 $0x300, s23;
	[dreg:$0xb] =	wrdreg s26;
	s24 =	sadd.s32 $0x15C00, s0  }
0x15: {  	s9 =	simm.s32 $0x5C00;
	s25 =	sadd.s32 $0x16800, s0;
	[dreg:$0x8] =	wrdreg s24  }
0x16: {  	s26 =	simm.s32 $0x12400;
	s8 =	sadd.s32 s8, s2;
	[dreg:$0x9] =	wrdreg s25  }
0x17: {  	s20 =	simm.s32 $0x8;
	s0 =	sadd.s32 $0x17400, s0;
	[dreg:$0x4] =	wrdreg s8  }
0x18: {  	v2 =	vlaneseq.u32;
	s2 =	sadd.s32 s4, s2;
	s4 =	simm.s32 $0x4400;
	[dreg:$0xa] =	wrdreg s0  }
0x19: {  	vm0 =	vmmov $0xffff;
	v1 =	vshrl.u32 v2, $0x3;
	[dreg:$0x5] =	wrdreg s2;
	s2 =	simm.s32 $0x2C00;
	s8 =	simm.s32 $0x5400  }
0x1a: {  	v0 =	vand.u32 $0x7, v2;
	v2 =	vor.u32 $0x8, v2;
	v1 =	vmul.u32 $0x8, v1;
	s24 =	simm.s32 $0x6400;
	s0 =	simm.s32 $0xC400;
	s25 =	simm.s32 $0x1  }
.LBB2_1:
0x1b: {  	[dreg:$0xc] =	wrdreg s22  }
0x1c: {  	s21 =	rddreg [dreg:$0x6];
	s22 =	simm.s32 $0x80;
	s23 =	simm.s32 $0x200  }
0x1d: {  	[tilespmem:s3], [sflag:$0x9] =	stream.strided.gather [hbm4b:s21+s22], $0x400, s23, s22, $0x38;
	[tilespmem:$0x18400] =	vst v63  }
0x1e: {  	s23 =	simm.s32 $0x9  }
0x1f: {  	_ =	swait.ge [sflag:s23], $0x400  }
0x20: {  	[sflag:s23] =	ssyncset.done $0x0  }
0x21: {  	[sflag:s23] =	ssyncadd.s32 $0xFFFFFC00  }
0x22: {  	v3 =	vld [tilespmem:$0x0];
	_ =	sdelay $0x4  }
0x23: {  	v4 =	vshrl.u32 v3, $0x3  }
0x24: {  	v4 =	vmul.u32 $0x30, v4  }
0x25: {  	v3 =	vand.u32 $0x7, v3  }
0x26: {  	v3 =	vor.u32 v3, v4  }
0x27: {  	v4 =	vperm.xlane v3, v0;
	_ =	sdelay $0x1  }
0x28: {  	v4 =	vadd.s32 v1, v4;
	_ =	sdelay $0x3  }
0x29: {  	s22 =	simm.s32 $0x400;
	v3 =	vperm.xlane v3, v2  }
0x2a: {  	[tilespmem:s22], [sflag:$0x1] =	stream.indirect_vreg.gather [hbm4b:s1+s3], $0x80, v4, vm0, $0xb8;
	[tilespmem:$0x18400] =	vst v63  }
0x2b: {  	v3 =	vadd.s32 v1, v3  }
0x2c: {  	[tilespmem:s28], [sflag:$0x1] =	stream.indirect_vreg.gather [hbm4b:s5+s3], $0x80, v4, vm0, $0xb8;
	[tilespmem:$0x18400] =	vst v63  }
0x2d: {  	_ = 	snop  }
0x2e: {  	[tilespmem:s29], [sflag:$0x1] =	stream.indirect_vreg.gather [hbm4b:s6+s3], $0x80, v4, vm0, $0xb8;
	[tilespmem:$0x18400] =	vst v63  }
0x2f: {  	_ = 	snop  }
0x30: {  	[tilespmem:s30], [sflag:$0x1] =	stream.indirect_vreg.gather [hbm4b:s1+s3], $0x80, v3, vm0, $0xb8;
	[tilespmem:$0x18400] =	vst v63  }
0x31: {  	_ = 	snop  }
0x32: {  	[tilespmem:s31], [sflag:$0x1] =	stream.indirect_vreg.gather [hbm4b:s5+s3], $0x80, v3, vm0, $0xb8;
	[tilespmem:$0x18400] =	vst v63  }
0x33: {  	_ = 	snop  }
0x34: {  	[tilespmem:s2], [sflag:$0x1] =	stream.indirect_vreg.gather [hbm4b:s6+s3], $0x80, v3, vm0, $0xb8;
	[tilespmem:$0x18400] =	vst v63  }
0x35: {  	v3 =	vld [tilespmem:$0x10];
	_ =	sdelay $0x4  }
0x36: {  	v57 =	vshrl.u32 v3, $0x3  }
0x37: {  	v4 =	vmul.u32 $0x30, v57  }
0x38: {  	v3 =	vand.u32 $0x7, v3  }
0x39: {  	v3 =	vor.u32 v3, v4  }
0x3a: {  	v4 =	vperm.xlane v3, v0;
	_ =	sdelay $0x1  }
0x3b: {  	v4 =	vadd.s32 v1, v4;
	_ =	sdelay $0x3  }
0x3c: {  	v3 =	vperm.xlane v3, v2  }
0x3d: {  	[tilespmem:s12], [sflag:$0x1] =	stream.indirect_vreg.gather [hbm4b:s1+s3], $0x80, v4, vm0, $0xb8;
	[tilespmem:$0x18400] =	vst v63  }
0x3e: {  	v3 =	vadd.s32 v1, v3  }
0x3f: {  	[tilespmem:s13], [sflag:$0x1] =	stream.indirect_vreg.gather [hbm4b:s5+s3], $0x80, v4, vm0, $0xb8;
	[tilespmem:$0x18400] =	vst v63  }
0x40: {  	_ = 	snop  }
0x41: {  	[tilespmem:s4], [sflag:$0x1] =	stream.indirect_vreg.gather [hbm4b:s6+s3], $0x80, v4, vm0, $0xb8;
	[tilespmem:$0x18400] =	vst v63  }
0x42: {  	_ = 	snop  }
0x43: {  	[tilespmem:s7], [sflag:$0x1] =	stream.indirect_vreg.gather [hbm4b:s1+s3], $0x80, v3, vm0, $0xb8;
	[tilespmem:$0x18400] =	vst v63  }
0x44: {  	_ = 	snop  }
0x45: {  	[tilespmem:s8], [sflag:$0x1] =	stream.indirect_vreg.gather [hbm4b:s5+s3], $0x80, v3, vm0, $0xb8;
	[tilespmem:$0x18400] =	vst v63  }
0x46: {  	_ = 	snop  }
0x47: {  	[tilespmem:s9], [sflag:$0x1] =	stream.indirect_vreg.gather [hbm4b:s6+s3], $0x80, v3, vm0, $0xb8;
	[tilespmem:$0x18400] =	vst v63  }
0x48: {  	v3 =	vld [tilespmem:$0x20];
	_ =	sdelay $0x4  }
0x49: {  	v58 =	vshrl.u32 v3, $0x3  }
0x4a: {  	v4 =	vmul.u32 $0x30, v58  }
0x4b: {  	v3 =	vand.u32 $0x7, v3  }
0x4c: {  	v3 =	vor.u32 v3, v4  }
0x4d: {  	v4 =	vperm.xlane v3, v0;
	_ =	sdelay $0x1  }
0x4e: {  	v4 =	vadd.s32 v1, v4;
	_ =	sdelay $0x3  }
0x4f: {  	v3 =	vperm.xlane v3, v2  }
0x50: {  	[tilespmem:s24], [sflag:$0x2] =	stream.indirect_vreg.gather [hbm4b:s1+s3], $0x80, v4, vm0, $0xb8;
	[tilespmem:$0x18400] =	vst v63  }
0x51: {  	v3 =	vadd.s32 v1, v3  }
0x52: {  	[tilespmem:s15], [sflag:$0x2] =	stream.indirect_vreg.gather [hbm4b:s5+s3], $0x80, v4, vm0, $0xb8;
	[tilespmem:$0x18400] =	vst v63  }
0x53: {  	_ = 	snop  }
0x54: {  	[tilespmem:s10], [sflag:$0x2] =	stream.indirect_vreg.gather [hbm4b:s6+s3], $0x80, v4, vm0, $0xb8;
	[tilespmem:$0x18400] =	vst v63  }
0x55: {  	s23 =	simm.s32 $0x7C00  }
0x56: {  	[tilespmem:s23], [sflag:$0x2] =	stream.indirect_vreg.gather [hbm4b:s1+s3], $0x80, v3, vm0, $0xb8;
	[tilespmem:$0x18400] =	vst v63  }
0x57: {  	s24 =	simm.s32 $0x8400  }
0x58: {  	[tilespmem:s24], [sflag:$0x2] =	stream.indirect_vreg.gather [hbm4b:s5+s3], $0x80, v3, vm0, $0xb8;
	[tilespmem:$0x18400] =	vst v63  }
0x59: {  	s30 =	simm.s32 $0x8C00  }
0x5a: {  	[tilespmem:s30], [sflag:$0x2] =	stream.indirect_vreg.gather [hbm4b:s6+s3], $0x80, v3, vm0, $0xb8;
	[tilespmem:$0x18400] =	vst v63  }
0x5b: {  	v3 =	vld [tilespmem:$0x30];
	_ =	sdelay $0x4  }
0x5c: {  	v59 =	vshrl.u32 v3, $0x3  }
0x5d: {  	v4 =	vmul.u32 $0x30, v59  }
0x5e: {  	v3 =	vand.u32 $0x7, v3  }
0x5f: {  	v3 =	vor.u32 v3, v4  }
0x60: {  	v4 =	vperm.xlane v3, v0;
	_ =	sdelay $0x1  }
0x61: {  	v4 =	vadd.s32 v1, v4;
	_ =	sdelay $0x3  }
0x62: {  	s4 =	simm.s32 $0x9400;
	v3 =	vperm.xlane v3, v2  }
0x63: {  	[tilespmem:s4], [sflag:$0x2] =	stream.indirect_vreg.gather [hbm4b:s1+s3], $0x80, v4, vm0, $0xb8;
	[tilespmem:$0x18400] =	vst v63  }
0x64: {  	s7 =	simm.s32 $0x9C00;
	v3 =	vadd.s32 v1, v3  }
0x65: {  	[tilespmem:s7], [sflag:$0x2] =	stream.indirect_vreg.gather [hbm4b:s5+s3], $0x80, v4, vm0, $0xb8;
	[tilespmem:$0x18400] =	vst v63  }
0x66: {  	s8 =	simm.s32 $0xA400  }
0x67: {  	[tilespmem:s8], [sflag:$0x2] =	stream.indirect_vreg.gather [hbm4b:s6+s3], $0x80, v4, vm0, $0xb8;
	[tilespmem:$0x18400] =	vst v63  }
0x68: {  	s9 =	simm.s32 $0xAC00  }
0x69: {  	[tilespmem:s9], [sflag:$0x2] =	stream.indirect_vreg.gather [hbm4b:s1+s3], $0x80, v3, vm0, $0xb8;
	[tilespmem:$0x18400] =	vst v63  }
0x6a: {  	s10 =	simm.s32 $0xB400  }
0x6b: {  	[tilespmem:s10], [sflag:$0x2] =	stream.indirect_vreg.gather [hbm4b:s5+s3], $0x80, v3, vm0, $0xb8;
	[tilespmem:$0x18400] =	vst v63  }
0x6c: {  	s12 =	simm.s32 $0xBC00  }
0x6d: {  	[tilespmem:s12], [sflag:$0x2] =	stream.indirect_vreg.gather [hbm4b:s6+s3], $0x80, v3, vm0, $0xb8;
	[tilespmem:$0x18400] =	vst v63  }
0x6e: {  	v3 =	vld [tilespmem:$0x40];
	_ =	sdelay $0x4  }
0x6f: {  	v60 =	vshrl.u32 v3, $0x3  }
0x70: {  	v4 =	vmul.u32 $0x30, v60  }
0x71: {  	v3 =	vand.u32 $0x7, v3  }
0x72: {  	v3 =	vor.u32 v3, v4  }
0x73: {  	v4 =	vperm.xlane v3, v0;
	_ =	sdelay $0x1  }
0x74: {  	v4 =	vadd.s32 v1, v4;
	_ =	sdelay $0x3  }
0x75: {  	v3 =	vperm.xlane v3, v2  }
0x76: {  	[tilespmem:s0], [sflag:$0x3] =	stream.indirect_vreg.gather [hbm4b:s1+s3], $0x80, v4, vm0, $0xb8;
	[tilespmem:$0x18400] =	vst v63  }
0x77: {  	s13 =	simm.s32 $0xCC00;
	v3 =	vadd.s32 v1, v3  }
0x78: {  	[tilespmem:s13], [sflag:$0x3] =	stream.indirect_vreg.gather [hbm4b:s5+s3], $0x80, v4, vm0, $0xb8;
	[tilespmem:$0x18400] =	vst v63  }
0x79: {  	s15 =	simm.s32 $0xD400  }
0x7a: {  	[tilespmem:s15], [sflag:$0x3] =	stream.indirect_vreg.gather [hbm4b:s6+s3], $0x80, v4, vm0, $0xb8;
	[tilespmem:$0x18400] =	vst v63  }
0x7b: {  	s21 =	simm.s32 $0xDC00  }
0x7c: {  	[tilespmem:s21], [sflag:$0x3] =	stream.indirect_vreg.gather [hbm4b:s1+s3], $0x80, v3, vm0, $0xb8;
	[tilespmem:$0x18400] =	vst v63  }
0x7d: {  	s23 =	simm.s32 $0xE400  }
0x7e: {  	[tilespmem:s23], [sflag:$0x3] =	stream.indirect_vreg.gather [hbm4b:s5+s3], $0x80, v3, vm0, $0xb8;
	[tilespmem:$0x18400] =	vst v63  }
0x7f: {  	s24 =	simm.s32 $0xEC00  }
0x80: {  	[tilespmem:s24], [sflag:$0x3] =	stream.indirect_vreg.gather [hbm4b:s6+s3], $0x80, v3, vm0, $0xb8;
	[tilespmem:$0x18400] =	vst v63  }
0x81: {  	v3 =	vld [tilespmem:$0x50];
	_ =	sdelay $0x4  }
0x82: {  	v61 =	vshrl.u32 v3, $0x3  }
0x83: {  	v4 =	vmul.u32 $0x30, v61  }
0x84: {  	v3 =	vand.u32 $0x7, v3  }
0x85: {  	v3 =	vor.u32 v3, v4  }
0x86: {  	v4 =	vperm.xlane v3, v0;
	_ =	sdelay $0x1  }
0x87: {  	v4 =	vadd.s32 v1, v4;
	_ =	sdelay $0x3  }
0x88: {  	s30 =	simm.s32 $0xF400;
	v3 =	vperm.xlane v3, v2  }
0x89: {  	[tilespmem:s30], [sflag:$0x3] =	stream.indirect_vreg.gather [hbm4b:s1+s3], $0x80, v4, vm0, $0xb8;
	[tilespmem:$0x18400] =	vst v63  }
0x8a: {  	s2 =	simm.s32 $0xFC00;
	v3 =	vadd.s32 v1, v3  }
0x8b: {  	[tilespmem:s2], [sflag:$0x3] =	stream.indirect_vreg.gather [hbm4b:s5+s3], $0x80, v4, vm0, $0xb8;
	[tilespmem:$0x18400] =	vst v63  }
0x8c: {  	s4 =	simm.s32 $0x10400  }
0x8d: {  	[tilespmem:s4], [sflag:$0x3] =	stream.indirect_vreg.gather [hbm4b:s6+s3], $0x80, v4, vm0, $0xb8;
	[tilespmem:$0x18400] =	vst v63  }
0x8e: {  	s7 =	simm.s32 $0x10C00  }
0x8f: {  	[tilespmem:s7], [sflag:$0x3] =	stream.indirect_vreg.gather [hbm4b:s1+s3], $0x80, v3, vm0, $0xb8;
	[tilespmem:$0x18400] =	vst v63  }
0x90: {  	s8 =	simm.s32 $0x11400  }
0x91: {  	[tilespmem:s8], [sflag:$0x3] =	stream.indirect_vreg.gather [hbm4b:s5+s3], $0x80, v3, vm0, $0xb8;
	[tilespmem:$0x18400] =	vst v63  }
0x92: {  	s9 =	simm.s32 $0x11C00  }
0x93: {  	[tilespmem:s9], [sflag:$0x3] =	stream.indirect_vreg.gather [hbm4b:s6+s3], $0x80, v3, vm0, $0xb8;
	[tilespmem:$0x18400] =	vst v63  }
0x94: {  	_ =	swait.ge [sflag:s25], $0x6000  }
0x95: {  	[sflag:s25] =	ssyncset.done $0x0  }
0x96: {  	s22 =	simm.s32 $0x400;
	s10 =	rddreg [dreg:$0x7];
	[sflag:s25] =	ssyncadd.s32 $0xFFFFA000  }
0x97: {  	[hbm4b:s10+s3] =	stream.linear.scatter [tilespmem:s22], [sflag:$0x5], $0x6000, $0x38;
	[tilespmem:$0x18400] =	vst v63  }
0x98: {  	v3 =	vld [tilespmem:$0x60];
	_ =	sdelay $0x4  }
0x99: {  	v62 =	vshrl.u32 v3, $0x3  }
0x9a: {  	v4 =	vmul.u32 $0x30, v62  }
0x9b: {  	v3 =	vand.u32 $0x7, v3  }
0x9c: {  	v3 =	vor.u32 v3, v4  }
0x9d: {  	v4 =	vperm.xlane v3, v0;
	_ =	sdelay $0x1  }
0x9e: {  	v4 =	vadd.s32 v1, v4;
	_ =	sdelay $0x3  }
0x9f: {  	v3 =	vperm.xlane v3, v2  }
0xa0: {  	[tilespmem:s26], [sflag:$0x4] =	stream.indirect_vreg.gather [hbm4b:s1+s3], $0x80, v4, vm0, $0xb8;
	[tilespmem:$0x18400] =	vst v63  }
0xa1: {  	s12 =	simm.s32 $0x12C00;
	v3 =	vadd.s32 v1, v3  }
0xa2: {  	[tilespmem:s12], [sflag:$0x4] =	stream.indirect_vreg.gather [hbm4b:s5+s3], $0x80, v4, vm0, $0xb8;
	[tilespmem:$0x18400] =	vst v63  }
0xa3: {  	s13 =	simm.s32 $0x13400  }
0xa4: {  	[tilespmem:s13], [sflag:$0x4] =	stream.indirect_vreg.gather [hbm4b:s6+s3], $0x80, v4, vm0, $0xb8;
	[tilespmem:$0x18400] =	vst v63  }
0xa5: {  	s15 =	simm.s32 $0x13C00  }
0xa6: {  	[tilespmem:s15], [sflag:$0x4] =	stream.indirect_vreg.gather [hbm4b:s1+s3], $0x80, v3, vm0, $0xb8;
	[tilespmem:$0x18400] =	vst v63  }
0xa7: {  	s21 =	simm.s32 $0x14400  }
0xa8: {  	[tilespmem:s21], [sflag:$0x4] =	stream.indirect_vreg.gather [hbm4b:s5+s3], $0x80, v3, vm0, $0xb8;
	[tilespmem:$0x18400] =	vst v63  }
0xa9: {  	s22 =	simm.s32 $0x14C00  }
0xaa: {  	[tilespmem:s22], [sflag:$0x4] =	stream.indirect_vreg.gather [hbm4b:s6+s3], $0x80, v3, vm0, $0xb8;
	[tilespmem:$0x18400] =	vst v63  }
0xab: {  	v3 =	vld [tilespmem:$0x70];
	_ =	sdelay $0x4  }
0xac: {  	v63 =	vshrl.u32 v3, $0x3  }
0xad: {  	v4 =	vmul.u32 $0x30, v63  }
0xae: {  	v3 =	vand.u32 $0x7, v3  }
0xaf: {  	v3 =	vor.u32 v3, v4  }
0xb0: {  	v4 =	vperm.xlane v3, v0;
	_ =	sdelay $0x1  }
0xb1: {  	v4 =	vadd.s32 v1, v4;
	_ =	sdelay $0x3  }
0xb2: {  	s23 =	simm.s32 $0x15400;
	v3 =	vperm.xlane v3, v2  }
0xb3: {  	[tilespmem:s23], [sflag:$0x4] =	stream.indirect_vreg.gather [hbm4b:s1+s3], $0x80, v4, vm0, $0xb8;
	[tilespmem:$0x18400] =	vst v63  }
0xb4: {  	s28 =	simm.s32 $0x400;
	s29 =	simm.s32 $0x16C00;
	s24 =	simm.s32 $0x15C00;
	v3 =	vadd.s32 v1, v3  }
0xb5: {  	[tilespmem:s24], [sflag:$0x4] =	stream.indirect_vreg.gather [hbm4b:s5+s3], $0x80, v4, vm0, $0xb8;
	[tilespmem:$0x18400] =	vst v63  }
0xb6: {  	s31 =	simm.s32 $0x17400;
	s30 =	simm.s32 $0x16400;
	s2 =	simm.s32 $0x17C00  }
0xb7: {  	[tilespmem:s30], [sflag:$0x4] =	stream.indirect_vreg.gather [hbm4b:s6+s3], $0x80, v4, vm0, $0xb8;
	[tilespmem:$0x18400] =	vst v63  }
0xb8: {  	s4 =	simm.s32 $0x4400;
	s7 =	simm.s32 $0x4C00;
	s8 =	simm.s32 $0x5400  }
0xb9: {  	[tilespmem:s29], [sflag:$0x4] =	stream.indirect_vreg.gather [hbm4b:s1+s3], $0x80, v3, vm0, $0xb8;
	[tilespmem:$0x18400] =	vst v63  }
0xba: {  	s9 =	simm.s32 $0x5C00;
	s12 =	simm.s32 $0x3400;
	s13 =	simm.s32 $0x3C00  }
0xbb: {  	[tilespmem:s31], [sflag:$0x4] =	stream.indirect_vreg.gather [hbm4b:s5+s3], $0x80, v3, vm0, $0xb8;
	[tilespmem:$0x18400] =	vst v63  }
0xbc: {  	s15 =	simm.s32 $0x6C00;
	s21 =	simm.s32 $0xF0;
	s22 =	simm.s32 $0x0  }
0xbd: {  	[tilespmem:s2], [sflag:$0x4] =	stream.indirect_vreg.gather [hbm4b:s6+s3], $0x80, v3, vm0, $0xb8;
	[tilespmem:$0x18400] =	vst v63  }
.LBB2_2:
0xbe: {  	_ =	swait.ge [sflag:s11], $0x6000  }
0xbf: {  	s23 =	rddreg [dreg:$0x5]  }
0xc0: {  	[sflag:s11] =	ssyncset.done $0x0;
	s23 =	sadd.s32 s22, s23  }
0xc1: {  	s10 =	simm.s32 $0x6400;
	[sflag:s11] =	ssyncadd.s32 $0xFFFFA000;
	s24 =	sadd.s32 $0xC00, s23  }
0xc2: {  	[hbm4b:s24+s3] =	stream.linear.scatter [tilespmem:s10], [sflag:$0x6], $0x6000, $0x38;
	[tilespmem:$0x18400] =	vst v63  }
0xc3: {  	_ =	swait.ge [sflag:s14], $0x6000  }
0xc4: {  	[sflag:s14] =	ssyncset.done $0x0  }
0xc5: {  	[sflag:s14] =	ssyncadd.s32 $0xFFFFA000  }
0xc6: {  	v3 =	vld [tilespmem:s21+$0xFFFFFF90];
	_ =	sdelay $0x4  }
0xc7: {  	v4 =	vshrl.u32 v3, $0x3  }
0xc8: {  	v4 =	vmul.u32 $0x30, v4  }
0xc9: {  	v3 =	vand.u32 $0x7, v3  }
0xca: {  	v3 =	vor.u32 v3, v4  }
0xcb: {  	v4 =	vperm.xlane v3, v0;
	_ =	sdelay $0x1  }
0xcc: {  	v4 =	vadd.s32 v1, v4;
	_ =	sdelay $0x3  }
0xcd: {  	v3 =	vperm.xlane v3, v2  }
0xce: {  	[tilespmem:s28], [sflag:$0x1] =	stream.indirect_vreg.gather [hbm4b:s1+s3], $0x80, v4, vm0, $0xb8;
	[tilespmem:$0x18400] =	vst v63  }
0xcf: {  	s0 =	simm.s32 $0xC00;
	v3 =	vadd.s32 v1, v3  }
0xd0: {  	[tilespmem:s0], [sflag:$0x1] =	stream.indirect_vreg.gather [hbm4b:s5+s3], $0x80, v4, vm0, $0xb8;
	[tilespmem:$0x18400] =	vst v63  }
0xd1: {  	s24 =	simm.s32 $0x1400  }
0xd2: {  	[tilespmem:s24], [sflag:$0x1] =	stream.indirect_vreg.gather [hbm4b:s6+s3], $0x80, v4, vm0, $0xb8;
	[tilespmem:$0x18400] =	vst v63  }
0xd3: {  	s30 =	simm.s32 $0x1C00  }
0xd4: {  	[tilespmem:s30], [sflag:$0x1] =	stream.indirect_vreg.gather [hbm4b:s1+s3], $0x80, v3, vm0, $0xb8;
	[tilespmem:$0x18400] =	vst v63  }
0xd5: {  	s24 =	simm.s32 $0x2400  }
0xd6: {  	[tilespmem:s24], [sflag:$0x1] =	stream.indirect_vreg.gather [hbm4b:s5+s3], $0x80, v3, vm0, $0xb8;
	[tilespmem:$0x18400] =	vst v63  }
0xd7: {  	s30 =	simm.s32 $0x2C00  }
0xd8: {  	[tilespmem:s30], [sflag:$0x1] =	stream.indirect_vreg.gather [hbm4b:s6+s3], $0x80, v3, vm0, $0xb8;
	[tilespmem:$0x18400] =	vst v63  }
0xd9: {  	v3 =	vld [tilespmem:s21+$0xFFFFFFA0];
	_ =	sdelay $0x4  }
0xda: {  	v57 =	vshrl.u32 v3, $0x3  }
0xdb: {  	v4 =	vmul.u32 $0x30, v57  }
0xdc: {  	v3 =	vand.u32 $0x7, v3  }
0xdd: {  	v3 =	vor.u32 v3, v4  }
0xde: {  	v4 =	vperm.xlane v3, v0;
	_ =	sdelay $0x1  }
0xdf: {  	v4 =	vadd.s32 v1, v4;
	_ =	sdelay $0x3  }
0xe0: {  	v3 =	vperm.xlane v3, v2  }
0xe1: {  	[tilespmem:s12], [sflag:$0x1] =	stream.indirect_vreg.gather [hbm4b:s1+s3], $0x80, v4, vm0, $0xb8;
	[tilespmem:$0x18400] =	vst v63  }
0xe2: {  	v3 =	vadd.s32 v1, v3  }
0xe3: {  	[tilespmem:s13], [sflag:$0x1] =	stream.indirect_vreg.gather [hbm4b:s5+s3], $0x80, v4, vm0, $0xb8;
	[tilespmem:$0x18400] =	vst v63  }
0xe4: {  	_ = 	snop  }
0xe5: {  	[tilespmem:s4], [sflag:$0x1] =	stream.indirect_vreg.gather [hbm4b:s6+s3], $0x80, v4, vm0, $0xb8;
	[tilespmem:$0x18400] =	vst v63  }
0xe6: {  	_ = 	snop  }
0xe7: {  	[tilespmem:s7], [sflag:$0x1] =	stream.indirect_vreg.gather [hbm4b:s1+s3], $0x80, v3, vm0, $0xb8;
	[tilespmem:$0x18400] =	vst v63  }
0xe8: {  	_ = 	snop  }
0xe9: {  	[tilespmem:s8], [sflag:$0x1] =	stream.indirect_vreg.gather [hbm4b:s5+s3], $0x80, v3, vm0, $0xb8;
	[tilespmem:$0x18400] =	vst v63  }
0xea: {  	_ = 	snop  }
0xeb: {  	[tilespmem:s9], [sflag:$0x1] =	stream.indirect_vreg.gather [hbm4b:s6+s3], $0x80, v3, vm0, $0xb8;
	[tilespmem:$0x18400] =	vst v63  }
0xec: {  	_ =	swait.ge [sflag:s16], $0x6000  }
0xed: {  	[sflag:s16] =	ssyncset.done $0x0  }
0xee: {  	s0 =	sadd.s32 $0x1800, s23;
	s30 =	simm.s32 $0xC400;
	[sflag:s16] =	ssyncadd.s32 $0xFFFFA000  }
0xef: {  	[hbm4b:s0+s3] =	stream.linear.scatter [tilespmem:s30], [sflag:$0x7], $0x6000, $0x38;
	[tilespmem:$0x18400] =	vst v63  }
0xf0: {  	_ =	swait.ge [sflag:s17], $0x6000  }
0xf1: {  	[sflag:s17] =	ssyncset.done $0x0  }
0xf2: {  	[sflag:s17] =	ssyncadd.s32 $0xFFFFA000  }
0xf3: {  	v3 =	vld [tilespmem:s21+$0xFFFFFFB0];
	_ =	sdelay $0x4  }
0xf4: {  	v58 =	vshrl.u32 v3, $0x3  }
0xf5: {  	v4 =	vmul.u32 $0x30, v58  }
0xf6: {  	v3 =	vand.u32 $0x7, v3  }
0xf7: {  	v3 =	vor.u32 v3, v4  }
0xf8: {  	v4 =	vperm.xlane v3, v0;
	_ =	sdelay $0x1  }
0xf9: {  	v4 =	vadd.s32 v1, v4;
	_ =	sdelay $0x3  }
0xfa: {  	v3 =	vperm.xlane v3, v2  }
0xfb: {  	[tilespmem:s10], [sflag:$0x2] =	stream.indirect_vreg.gather [hbm4b:s1+s3], $0x80, v4, vm0, $0xb8;
	[tilespmem:$0x18400] =	vst v63  }
0xfc: {  	v3 =	vadd.s32 v1, v3  }
0xfd: {  	[tilespmem:s15], [sflag:$0x2] =	stream.indirect_vreg.gather [hbm4b:s5+s3], $0x80, v4, vm0, $0xb8;
	[tilespmem:$0x18400] =	vst v63  }
0xfe: {  	s10 =	simm.s32 $0x7400  }
0xff: {  	[tilespmem:s10], [sflag:$0x2] =	stream.indirect_vreg.gather [hbm4b:s6+s3], $0x80, v4, vm0, $0xb8;
	[tilespmem:$0x18400] =	vst v63  }
0x100: {  	s0 =	simm.s32 $0x7C00  }
0x101: {  	[tilespmem:s0], [sflag:$0x2] =	stream.indirect_vreg.gather [hbm4b:s1+s3], $0x80, v3, vm0, $0xb8;
	[tilespmem:$0x18400] =	vst v63  }
0x102: {  	s0 =	simm.s32 $0x8400  }
0x103: {  	[tilespmem:s0], [sflag:$0x2] =	stream.indirect_vreg.gather [hbm4b:s5+s3], $0x80, v3, vm0, $0xb8;
	[tilespmem:$0x18400] =	vst v63  }
0x104: {  	s0 =	simm.s32 $0x8C00  }
0x105: {  	[tilespmem:s0], [sflag:$0x2] =	stream.indirect_vreg.gather [hbm4b:s6+s3], $0x80, v3, vm0, $0xb8;
	[tilespmem:$0x18400] =	vst v63  }
0x106: {  	v3 =	vld [tilespmem:s21+$0xFFFFFFC0];
	_ =	sdelay $0x4  }
0x107: {  	v59 =	vshrl.u32 v3, $0x3  }
0x108: {  	v4 =	vmul.u32 $0x30, v59  }
0x109: {  	v3 =	vand.u32 $0x7, v3  }
0x10a: {  	v3 =	vor.u32 v3, v4  }
0x10b: {  	v4 =	vperm.xlane v3, v0;
	_ =	sdelay $0x1  }
0x10c: {  	v4 =	vadd.s32 v1, v4;
	_ =	sdelay $0x3  }
0x10d: {  	s0 =	simm.s32 $0x9400;
	v3 =	vperm.xlane v3, v2  }
0x10e: {  	[tilespmem:s0], [sflag:$0x2] =	stream.indirect_vreg.gather [hbm4b:s1+s3], $0x80, v4, vm0, $0xb8;
	[tilespmem:$0x18400] =	vst v63  }
0x10f: {  	v3 =	vadd.s32 v1, v3;
	s0 =	simm.s32 $0x9C00  }
0x110: {  	[tilespmem:s0], [sflag:$0x2] =	stream.indirect_vreg.gather [hbm4b:s5+s3], $0x80, v4, vm0, $0xb8;
	[tilespmem:$0x18400] =	vst v63  }
0x111: {  	s0 =	simm.s32 $0xA400  }
0x112: {  	[tilespmem:s0], [sflag:$0x2] =	stream.indirect_vreg.gather [hbm4b:s6+s3], $0x80, v4, vm0, $0xb8;
	[tilespmem:$0x18400] =	vst v63  }
0x113: {  	s0 =	simm.s32 $0xAC00  }
0x114: {  	[tilespmem:s0], [sflag:$0x2] =	stream.indirect_vreg.gather [hbm4b:s1+s3], $0x80, v3, vm0, $0xb8;
	[tilespmem:$0x18400] =	vst v63  }
0x115: {  	s0 =	simm.s32 $0xB400  }
0x116: {  	[tilespmem:s0], [sflag:$0x2] =	stream.indirect_vreg.gather [hbm4b:s5+s3], $0x80, v3, vm0, $0xb8;
	[tilespmem:$0x18400] =	vst v63  }
0x117: {  	s0 =	simm.s32 $0xBC00  }
0x118: {  	[tilespmem:s0], [sflag:$0x2] =	stream.indirect_vreg.gather [hbm4b:s6+s3], $0x80, v3, vm0, $0xb8;
	[tilespmem:$0x18400] =	vst v63  }
0x119: {  	_ =	swait.ge [sflag:s18], $0x6000  }
0x11a: {  	[sflag:s18] =	ssyncset.done $0x0  }
0x11b: {  	s23 =	sadd.s32 $0x2400, s23;
	[sflag:s18] =	ssyncadd.s32 $0xFFFFA000  }
0x11c: {  	[hbm4b:s23+s3] =	stream.linear.scatter [tilespmem:s26], [sflag:$0x8], $0x6000, $0x38;
	[tilespmem:$0x18400] =	vst v63  }
0x11d: {  	_ =	swait.ge [sflag:s19], $0x6000  }
0x11e: {  	[sflag:s19] =	ssyncset.done $0x0  }
0x11f: {  	[sflag:s19] =	ssyncadd.s32 $0xFFFFA000  }
0x120: {  	v3 =	vld [tilespmem:s21+$0xFFFFFFD0];
	_ =	sdelay $0x4  }
0x121: {  	v60 =	vshrl.u32 v3, $0x3  }
0x122: {  	v4 =	vmul.u32 $0x30, v60  }
0x123: {  	v3 =	vand.u32 $0x7, v3  }
0x124: {  	v3 =	vor.u32 v3, v4  }
0x125: {  	v4 =	vperm.xlane v3, v0;
	_ =	sdelay $0x1  }
0x126: {  	v4 =	vadd.s32 v1, v4;
	_ =	sdelay $0x3  }
0x127: {  	v3 =	vperm.xlane v3, v2  }
0x128: {  	[tilespmem:s30], [sflag:$0x3] =	stream.indirect_vreg.gather [hbm4b:s1+s3], $0x80, v4, vm0, $0xb8;
	[tilespmem:$0x18400] =	vst v63  }
0x129: {  	v3 =	vadd.s32 v1, v3;
	s30 =	simm.s32 $0xCC00  }
0x12a: {  	[tilespmem:s30], [sflag:$0x3] =	stream.indirect_vreg.gather [hbm4b:s5+s3], $0x80, v4, vm0, $0xb8;
	[tilespmem:$0x18400] =	vst v63  }
0x12b: {  	s30 =	simm.s32 $0xD400  }
0x12c: {  	[tilespmem:s30], [sflag:$0x3] =	stream.indirect_vreg.gather [hbm4b:s6+s3], $0x80, v4, vm0, $0xb8;
	[tilespmem:$0x18400] =	vst v63  }
0x12d: {  	s30 =	simm.s32 $0xDC00  }
0x12e: {  	[tilespmem:s30], [sflag:$0x3] =	stream.indirect_vreg.gather [hbm4b:s1+s3], $0x80, v3, vm0, $0xb8;
	[tilespmem:$0x18400] =	vst v63  }
0x12f: {  	s30 =	simm.s32 $0xE400  }
0x130: {  	[tilespmem:s30], [sflag:$0x3] =	stream.indirect_vreg.gather [hbm4b:s5+s3], $0x80, v3, vm0, $0xb8;
	[tilespmem:$0x18400] =	vst v63  }
0x131: {  	s30 =	simm.s32 $0xEC00  }
0x132: {  	[tilespmem:s30], [sflag:$0x3] =	stream.indirect_vreg.gather [hbm4b:s6+s3], $0x80, v3, vm0, $0xb8;
	[tilespmem:$0x18400] =	vst v63  }
0x133: {  	v3 =	vld [tilespmem:s21+$0xFFFFFFE0];
	_ =	sdelay $0x4  }
0x134: {  	v61 =	vshrl.u32 v3, $0x3  }
0x135: {  	v4 =	vmul.u32 $0x30, v61  }
0x136: {  	v3 =	vand.u32 $0x7, v3  }
0x137: {  	v3 =	vor.u32 v3, v4  }
0x138: {  	v4 =	vperm.xlane v3, v0;
	_ =	sdelay $0x1  }
0x139: {  	v4 =	vadd.s32 v1, v4;
	_ =	sdelay $0x3  }
0x13a: {  	s30 =	simm.s32 $0xF400;
	v3 =	vperm.xlane v3, v2  }
0x13b: {  	[tilespmem:s30], [sflag:$0x3] =	stream.indirect_vreg.gather [hbm4b:s1+s3], $0x80, v4, vm0, $0xb8;
	[tilespmem:$0x18400] =	vst v63  }
0x13c: {  	v3 =	vadd.s32 v1, v3;
	s30 =	simm.s32 $0xFC00  }
0x13d: {  	[tilespmem:s30], [sflag:$0x3] =	stream.indirect_vreg.gather [hbm4b:s5+s3], $0x80, v4, vm0, $0xb8;
	[tilespmem:$0x18400] =	vst v63  }
0x13e: {  	s30 =	simm.s32 $0x10400  }
0x13f: {  	[tilespmem:s30], [sflag:$0x3] =	stream.indirect_vreg.gather [hbm4b:s6+s3], $0x80, v4, vm0, $0xb8;
	[tilespmem:$0x18400] =	vst v63  }
0x140: {  	s30 =	simm.s32 $0x10C00  }
0x141: {  	[tilespmem:s30], [sflag:$0x3] =	stream.indirect_vreg.gather [hbm4b:s1+s3], $0x80, v3, vm0, $0xb8;
	[tilespmem:$0x18400] =	vst v63  }
0x142: {  	s30 =	simm.s32 $0x11400  }
0x143: {  	[tilespmem:s30], [sflag:$0x3] =	stream.indirect_vreg.gather [hbm4b:s5+s3], $0x80, v3, vm0, $0xb8;
	[tilespmem:$0x18400] =	vst v63  }
0x144: {  	s30 =	simm.s32 $0x11C00  }
0x145: {  	[tilespmem:s30], [sflag:$0x3] =	stream.indirect_vreg.gather [hbm4b:s6+s3], $0x80, v3, vm0, $0xb8;
	[tilespmem:$0x18400] =	vst v63  }
0x146: {  	_ =	swait.ge [sflag:s25], $0x6000  }
0x147: {  	s30 =	rddreg [dreg:$0x4];
	[sflag:s25] =	ssyncset.done $0x0  }
0x148: {  	[sflag:s25] =	ssyncadd.s32 $0xFFFFA000;
	s23 =	sadd.s32 s22, s30  }
0x149: {  	[hbm4b:s23+s3] =	stream.linear.scatter [tilespmem:s28], [sflag:$0x5], $0x6000, $0x38;
	[tilespmem:$0x18400] =	vst v63  }
0x14a: {  	_ =	swait.ge [sflag:s20], $0x6000  }
0x14b: {  	[sflag:s20] =	ssyncset.done $0x0  }
0x14c: {  	[sflag:s20] =	ssyncadd.s32 $0xFFFFA000  }
0x14d: {  	v3 =	vld [tilespmem:s21+$0xFFFFFFF0];
	_ =	sdelay $0x4  }
0x14e: {  	v62 =	vshrl.u32 v3, $0x3  }
0x14f: {  	v4 =	vmul.u32 $0x30, v62  }
0x150: {  	v3 =	vand.u32 $0x7, v3  }
0x151: {  	v3 =	vor.u32 v3, v4  }
0x152: {  	v4 =	vperm.xlane v3, v0;
	_ =	sdelay $0x1  }
0x153: {  	v4 =	vadd.s32 v1, v4;
	_ =	sdelay $0x3  }
0x154: {  	v3 =	vperm.xlane v3, v2  }
0x155: {  	[tilespmem:s26], [sflag:$0x4] =	stream.indirect_vreg.gather [hbm4b:s1+s3], $0x80, v4, vm0, $0xb8;
	[tilespmem:$0x18400] =	vst v63  }
0x156: {  	s30 =	simm.s32 $0x12C00;
	v3 =	vadd.s32 v1, v3  }
0x157: {  	[tilespmem:s30], [sflag:$0x4] =	stream.indirect_vreg.gather [hbm4b:s5+s3], $0x80, v4, vm0, $0xb8;
	[tilespmem:$0x18400] =	vst v63  }
0x158: {  	s30 =	simm.s32 $0x13400  }
0x159: {  	[tilespmem:s30], [sflag:$0x4] =	stream.indirect_vreg.gather [hbm4b:s6+s3], $0x80, v4, vm0, $0xb8;
	[tilespmem:$0x18400] =	vst v63  }
0x15a: {  	s30 =	simm.s32 $0x13C00  }
0x15b: {  	[tilespmem:s30], [sflag:$0x4] =	stream.indirect_vreg.gather [hbm4b:s1+s3], $0x80, v3, vm0, $0xb8;
	[tilespmem:$0x18400] =	vst v63  }
0x15c: {  	s30 =	simm.s32 $0x14400  }
0x15d: {  	[tilespmem:s30], [sflag:$0x4] =	stream.indirect_vreg.gather [hbm4b:s5+s3], $0x80, v3, vm0, $0xb8;
	[tilespmem:$0x18400] =	vst v63  }
0x15e: {  	s30 =	simm.s32 $0x14C00  }
0x15f: {  	[tilespmem:s30], [sflag:$0x4] =	stream.indirect_vreg.gather [hbm4b:s6+s3], $0x80, v3, vm0, $0xb8;
	[tilespmem:$0x18400] =	vst v63  }
0x160: {  	v3 =	vld [tilespmem:s21+$0x0];
	_ =	sdelay $0x4  }
0x161: {  	v63 =	vshrl.u32 v3, $0x3  }
0x162: {  	v4 =	vmul.u32 $0x30, v63  }
0x163: {  	v3 =	vand.u32 $0x7, v3  }
0x164: {  	v3 =	vor.u32 v3, v4  }
0x165: {  	v4 =	vperm.xlane v3, v0;
	_ =	sdelay $0x1  }
0x166: {  	v4 =	vadd.s32 v1, v4;
	_ =	sdelay $0x3  }
0x167: {  	s30 =	simm.s32 $0x15400;
	v3 =	vperm.xlane v3, v2  }
0x168: {  	[tilespmem:s30], [sflag:$0x4] =	stream.indirect_vreg.gather [hbm4b:s1+s3], $0x80, v4, vm0, $0xb8;
	[tilespmem:$0x18400] =	vst v63  }
0x169: {  	v3 =	vadd.s32 v1, v3;
	s30 =	simm.s32 $0x15C00  }
0x16a: {  	[tilespmem:s30], [sflag:$0x4] =	stream.indirect_vreg.gather [hbm4b:s5+s3], $0x80, v4, vm0, $0xb8;
	[tilespmem:$0x18400] =	vst v63  }
0x16b: {  	s30 =	simm.s32 $0x16400  }
0x16c: {  	[tilespmem:s30], [sflag:$0x4] =	stream.indirect_vreg.gather [hbm4b:s6+s3], $0x80, v4, vm0, $0xb8;
	[tilespmem:$0x18400] =	vst v63  }
0x16d: {  	p0 =	sne.s32 s22, $0x12000  }
0x16e: {  	[tilespmem:s29], [sflag:$0x4] =	stream.indirect_vreg.gather [hbm4b:s1+s3], $0x80, v3, vm0, $0xb8;
	[tilespmem:$0x18400] =	vst v63  }
.Ltmp0:
0x16f: {  	_ = 	snop;
	(pc) =	sbr.rel @p0 .LBB2_2-.Ltmp0, $4  }
0x170: {  	s24 =	simm.s32 $0x6400  }
0x171: {  	[tilespmem:s31], [sflag:$0x4] =	stream.indirect_vreg.gather [hbm4b:s5+s3], $0x80, v3, vm0, $0xb8;
	[tilespmem:$0x18400] =	vst v63  }
0x172: {  	s0 =	simm.s32 $0xC400;
	s22 =	sadd.s32 $0x3000, s22;
	s21 =	sadd.s32 $0x80, s21  }
0x173: {  	[tilespmem:s2], [sflag:$0x4] =	stream.indirect_vreg.gather [hbm4b:s6+s3], $0x80, v3, vm0, $0xb8;
	[tilespmem:$0x18400] =	vst v63  }
0x174: {  	_ =	swait.ge [sflag:s11], $0x6000  }
0x175: {  	[sflag:s11] =	ssyncset.done $0x0  }
0x176: {  	s21 =	rddreg [dreg:$0x8];
	[sflag:s11] =	ssyncadd.s32 $0xFFFFA000  }
0x177: {  	[hbm4b:s21+s3] =	stream.linear.scatter [tilespmem:s24], [sflag:$0x6], $0x6000, $0x38;
	[tilespmem:$0x18400] =	vst v63  }
0x178: {  	_ =	swait.ge [sflag:s16], $0x6000  }
0x179: {  	[sflag:s16] =	ssyncset.done $0x0  }
0x17a: {  	s15 =	rddreg [dreg:$0x9];
	[sflag:s16] =	ssyncadd.s32 $0xFFFFA000  }
0x17b: {  	[hbm4b:s15+s3] =	stream.linear.scatter [tilespmem:s0], [sflag:$0x7], $0x6000, $0x38;
	[tilespmem:$0x18400] =	vst v63  }
0x17c: {  	_ =	swait.ge [sflag:s18], $0x6000  }
0x17d: {  	[sflag:s18] =	ssyncset.done $0x0  }
0x17e: {  	s22 =	rddreg [dreg:$0xa];
	[sflag:s18] =	ssyncadd.s32 $0xFFFFA000  }
0x17f: {  	[hbm4b:s22+s3] =	stream.linear.scatter [tilespmem:s26], [sflag:$0x8], $0x6000, $0x38;
	[tilespmem:$0x18400] =	vst v63  }
0x180: {  	_ =	swait.ge [sflag:s14], $0x6000  }
0x181: {  	[sflag:s14] =	ssyncset.done $0x0  }
0x182: {  	[sflag:s14] =	ssyncadd.s32 $0xFFFFA000  }
0x183: {  	_ =	swait.ge [sflag:s17], $0x6000  }
0x184: {  	[sflag:s17] =	ssyncset.done $0x0  }
0x185: {  	[sflag:s17] =	ssyncadd.s32 $0xFFFFA000  }
0x186: {  	_ =	swait.ge [sflag:s19], $0x6000  }
0x187: {  	[sflag:s19] =	ssyncset.done $0x0  }
0x188: {  	[sflag:s19] =	ssyncadd.s32 $0xFFFFA000  }
0x189: {  	_ =	swait.ge [sflag:s20], $0x6000  }
0x18a: {  	s22 =	rddreg [dreg:$0xc]  }
0x18b: {  	s23 =	rddreg [dreg:$0xb];
	s22 =	sadd.s32 $0x1, s22  }
0x18c: {  	p0 =	sne.s32 s22, s23  }
.Ltmp1:
0x18d: {  	s28 =	simm.s32 $0xC00;
	s29 =	simm.s32 $0x1400;
	(pc) =	sbr.rel @p0 .LBB2_1-.Ltmp1, $4  }
0x18e: {  	s30 =	simm.s32 $0x1C00;
	s31 =	simm.s32 $0x2400;
	s2 =	simm.s32 $0x2C00  }
0x18f: {  	s12 =	simm.s32 $0x3400;
	s13 =	simm.s32 $0x3C00;
	s4 =	simm.s32 $0x4400  }
0x190: {  	s7 =	simm.s32 $0x4C00;
	s8 =	simm.s32 $0x5400;
	[sflag:s20] =	ssyncset.done $0x0  }
0x191: {  	s9 =	simm.s32 $0x5C00;
	s15 =	simm.s32 $0x6C00;
	[sflag:s20] =	ssyncadd.s32 $0xFFFFA000  }
0x192: {  	_ =	sfence.sel $0x180000  }
0x193: {  	[bflag:$0x0] =	sbarrier.arrive $0xFFFF  }
0x194: {  	_ =	strace $0x90000047  }
0x195: {  	s0 =	stileid.u32;
	[bflag:$0x2] =	sbarrier.arrive $0xFFFF  }
0x196: {  	p0 =	sne.s32 s0, $0x0;
	s0 =	rddreg [dreg:$0x3]  }
0x197: {  	s0 =	sadd.s32 @!p0 $0x100000, s0  }
0x198: {  	[sflag:s0] =	ssyncadd.tile.s32 @!p0 $0x1;
	_ =	shalt  }
.Lfunc_end2:
_tile_overlayer_lowered:
.L_overlay_start_2:
0x199: {  	(tag) =	ssettag $0x2  }
0x19a: {  	s0 =	rddreg [dreg:$0x0];
	s2 =	stileid.u32  }
0x19b: {  	s1 =	rddreg [dreg:$0x1];
	p0 =	sne.s32 s2, $0x0  }
0x19c: {  	s3 =	rddreg [dreg:$0x2];
	[bflag:$0x3] =	sbarrier.arrive $0xFFFF;
	s2 =	simm.s32 @!p0 $0x1C09  }
0x19d: {  	[timem:s3], [sflag:s2] =	dma.local @!p0 [hbm:s0], s1  }
0x19e: {  	s0 =	simm.s32 @!p0 $0x9  }
0x19f: {  	_ =	swait.ge @!p0 [sflag:s0], s1  }
0x1a0: {  	s1 =	ssub.s32 @!p0 $0x0, s1;
	[sflag:s0] =	ssyncset.done @!p0 $0x0  }
0x1a1: {  	[sflag:s0] =	ssyncadd.s32 @!p0 s1  }
0x1a2: {  	[bflag:$0x3] =	sbarrier.arrive $0xFFFF  }
0x1a3: {  	_ =	shalt  }

</sc_bundles>
